<compile_context>
chip_gen: v7x
topology: tpu7x:2x2x1
jax: 0.10.2.dev20260603
libtpu: 0.0.44.dev20260713+nightly
codegen_flags: <defaults>
</compile_context>

<pallas_src>
import functools

import jax
import jax.numpy as jnp
from jax import lax
from jax.experimental import pallas as pl
from jax.experimental.pallas import tpu as pltpu
from jax.experimental.pallas import tpu_sc as plsc

NC, NS, LANES = 2, 16, 16
NW = NC * NS
B, SEQ = 4096, 200
BPW = B // NW
IPW = BPW * SEQ
GR = 4
GI = GR * SEQ
NG = BPW // GR
D = LANES
VOCAB_P = 100096
VPS = VOCAB_P // NS


def _sc_body(feat_hbm, table_hbm, out_hbm, idx0_v, idx1_v, buf0_v, buf1_v,
             sout_v, stab_sh, semi0, semi1, semg0, semg1):
    wid = lax.axis_index("s") * NC + lax.axis_index("c")
    sid = lax.axis_index("s")
    base = pl.multiple_of(wid * IPW, 8)
    toff = pl.multiple_of(sid * VPS, 8)
    pltpu.sync_copy(table_hbm.at[pl.ds(toff, VPS)], stab_sh.at[pl.ds(toff, VPS)])

    def idx_cp(g, ib, sem):
        off = pl.multiple_of(base + g * GI, 8)
        return pltpu.make_async_copy(feat_hbm.at[pl.ds(off, GI)], ib, sem)

    def gat(ib, rb, sem):
        return pltpu.make_async_copy(stab_sh.at[ib], rb, sem)

    def acc(g, buf):
        for r in range(GR):
            def acc_body(i, carry):
                a0, a1, a2, a3 = carry
                j = r * SEQ + i * 4
                return (a0 + buf[j, :], a1 + buf[j + 1, :],
                        a2 + buf[j + 2, :], a3 + buf[j + 3, :])

            z = jnp.zeros((LANES,), jnp.float32)
            a0, a1, a2, a3 = lax.fori_loop(0, SEQ // 4, acc_body, (z, z, z, z),
                                           unroll=5)
            sout_v[g * GR + r, :] = (a0 + a1) + (a2 + a3)

    idx_cp(0, idx0_v, semi0).start()
    plsc.subcore_barrier()
    idx_cp(0, idx0_v, semi0).wait()
    gat(idx0_v, buf0_v, semg0).start()
    idx_cp(1, idx1_v, semi1).start()

    def g_body(h, _):
        g0 = h * 2
        idx_cp(g0 + 1, idx1_v, semi1).wait()
        gat(idx1_v, buf1_v, semg1).start()
        gat(idx0_v, buf0_v, semg0).wait()

        @pl.when(g0 + 2 < NG)
        def _():
            idx_cp(g0 + 2, idx0_v, semi0).start()

        acc(g0, buf0_v)

        @pl.when(g0 + 2 < NG)
        def _():
            idx_cp(g0 + 2, idx0_v, semi0).wait()
            gat(idx0_v, buf0_v, semg0).start()

        gat(idx1_v, buf1_v, semg1).wait()

        @pl.when(g0 + 3 < NG)
        def _():
            idx_cp(g0 + 3, idx1_v, semi1).start()

        acc(g0 + 1, buf1_v)
        return 0

    lax.fori_loop(0, NG // 2, g_body, 0)
    pltpu.sync_copy(sout_v, out_hbm.at[pl.ds(pl.multiple_of(wid * BPW, 8), BPW)])


@functools.lru_cache(maxsize=1)
def _sc_gather_sum():
    return pl.kernel(
        _sc_body,
        out_type=jax.ShapeDtypeStruct((B, D), jnp.float32),
        mesh=plsc.VectorSubcoreMesh(core_axis_name="c", subcore_axis_name="s",
                                    num_cores=NC, num_subcores=NS),
        compiler_params=pltpu.CompilerParams(use_tc_tiling_on_sc=False),
        scratch_types=[
            pltpu.VMEM((GI,), jnp.int32),
            pltpu.VMEM((GI,), jnp.int32),
            pltpu.VMEM((GI, D), jnp.float32),
            pltpu.VMEM((GI, D), jnp.float32),
            pltpu.VMEM((BPW, D), jnp.float32),
            pltpu.VMEM_SHARED((VOCAB_P, D), jnp.float32),
            pltpu.SemaphoreType.DMA,
            pltpu.SemaphoreType.DMA,
            pltpu.SemaphoreType.DMA,
            pltpu.SemaphoreType.DMA,
        ],
    )


def _tc_body(s_ref, lab_ref, wb_ref, bb_ref, wh_ref, bh_ref,
             bl_ref, hl_ref, bp_ref, hp_ref):
    S = s_ref[...]
    labs = lab_ref[...]
    riota = lax.broadcasted_iota(jnp.int32, (4, B), 0)

    def head(W4, b4, lab_row):
        lt = lax.dot_general(W4, S, (((1,), (1,)), ((), ())),
                             precision=lax.Precision.HIGHEST,
                             preferred_element_type=jnp.float32)
        lt = lt + 200.0 * b4
        lt = jnp.where(riota < 3, lt, -jnp.inf)
        m = jnp.max(lt, axis=0, keepdims=True)
        lse = jnp.log(jnp.sum(jnp.exp(lt - m), axis=0, keepdims=True)) + m
        picked = jnp.sum(jnp.where(riota == lab_row, lt, 0.0), axis=0,
                         keepdims=True)
        loss = jnp.sum(lse - picked, axis=1, keepdims=True) / B
        l0, l1, l2 = lt[0:1], lt[1:2], lt[2:3]
        pred = jnp.where(l1 > l0, 1, 0)
        pred = jnp.where(l2 > jnp.maximum(l0, l1), 2, pred)
        return loss, pred.astype(jnp.int32)

    bl, bp = head(wb_ref[...], bb_ref[...], labs[0:1])
    hl, hp = head(wh_ref[...], bh_ref[...], labs[1:2])
    bl_ref[...] = bl
    hl_ref[...] = hl
    bp_ref[...] = bp
    hp_ref[...] = hp


_tc_heads = pl.pallas_call(
    _tc_body,
    out_shape=[
        jax.ShapeDtypeStruct((1, 1), jnp.float32),
        jax.ShapeDtypeStruct((1, 1), jnp.float32),
        jax.ShapeDtypeStruct((1, B), jnp.int32),
        jax.ShapeDtypeStruct((1, B), jnp.int32),
    ],
)


def kernel(feature, bias, hate, table, W_bias, b_bias, W_hate, b_hate):
    feat_flat = feature.astype(jnp.int32).reshape(-1)
    table_q = table.astype(jnp.bfloat16).astype(jnp.float32)
    w_bias_q = W_bias.astype(jnp.bfloat16).astype(jnp.float32)
    w_hate_q = W_hate.astype(jnp.bfloat16).astype(jnp.float32)
    table16 = jnp.pad(table_q, ((0, VOCAB_P - table.shape[0]), (0, D - 3)))
    s16 = _sc_gather_sum()(feat_flat, table16)

    labs = jnp.stack([bias, hate]).astype(jnp.int32)
    w4b = jnp.zeros((4, D), jnp.float32).at[:3, :3].set(w_bias_q)
    b4b = jnp.zeros((4, 1), jnp.float32).at[:3, 0].set(b_bias)
    w4h = jnp.zeros((4, D), jnp.float32).at[:3, :3].set(w_hate_q)
    b4h = jnp.zeros((4, 1), jnp.float32).at[:3, 0].set(b_hate)

    bl, hl, bp, hp = _tc_heads(s16, labs, w4b, b4b, w4h, b4h)
    return (bl.reshape(()), hl.reshape(()), bp.reshape(B), hp.reshape(B))

# --- scband reference (transcript-rebuilt; emitter-appended) ---
"""Pipeline reference for scband-beep-model-77635828842886 (READ-ONLY COPY).

The authoritative reference and input builder live on the scoring server;
editing this copy changes nothing except your own understanding.
"""

import jax, jax.numpy as jnp
import numpy as np

VOCAB = 100000
PAD_IDX = 0


def _cross_entropy(logits, labels):
    logz = jax.nn.log_softmax(logits, axis=-1)
    picked = jnp.take_along_axis(logz, labels[:, None], axis=-1).squeeze(-1)
    return -jnp.mean(picked)


def setup_inputs(seed: int = 0) -> dict:
    key = jax.random.key(seed)
    k1, k2, k3, k4, k5, k6, k7, k8, k9 = jax.random.split(key, 9)
    feature = jax.random.randint(k1, (4096, 200), 0, VOCAB, dtype=jnp.int64 if jax.config.jax_enable_x64 else jnp.int32)
    bias = jax.random.randint(k2, (4096,), 0, 3)
    hate = jax.random.randint(k3, (4096,), 0, 3)
    table = jax.random.normal(k4, (VOCAB, 3), dtype=jnp.float32)
    table = table.at[PAD_IDX].set(0.0)  # padding_idx row is zero
    W_bias = jax.random.normal(k5, (3, 3), dtype=jnp.float32) * 0.5
    b_bias = jax.random.normal(k6, (3,), dtype=jnp.float32) * 0.1
    W_hate = jax.random.normal(k7, (3, 3), dtype=jnp.float32) * 0.5
    b_hate = jax.random.normal(k8, (3,), dtype=jnp.float32) * 0.1
    return {"feature": feature, "bias": bias, "hate": hate,
            "table": table, "W_bias": W_bias, "b_bias": b_bias,
            "W_hate": W_hate, "b_hate": b_hate}


def reference(feature, bias, hate, table, W_bias, b_bias, W_hate, b_hate):
    # embedding lookup (gather)
    embedded = jnp.take(table, feature, axis=0)           # (B, L, 3)
    # bias head: Linear then sum over sequence dim
    bias_output = jnp.sum(embedded @ W_bias.T + b_bias, axis=1)   # (B, 3)
    bias_loss = _cross_entropy(bias_output, bias)
    bias_pred = jnp.argmax(bias_output, axis=-1)
    # hate head
    hate_output = jnp.sum(embedded @ W_hate.T + b_hate, axis=1)   # (B, 3)
    hate_loss = _cross_entropy(hate_output, hate)
    hate_pred = jnp.argmax(hate_output, axis=-1)
    return (bias_loss, hate_loss, bias_pred, hate_pred)

if __name__ == "__main__":
    import jax
    _d = setup_inputs()
    print(jax.jit(kernel)(*tuple(_d.values())))

</pallas_src>

<mosaic_0001>
#map = affine_map<(d0, d1) -> (0)>
#map1 = affine_map<(d0, d1) -> (0, 0)>
module attributes {stable_mosaic.version = 14 : i64} {
  func.func @_sc_body(%arg0: i32, %arg1: i32, %arg2: memref<819200xi32, #tpu.memory_space<hbm>>, %arg3: memref<100096x16xf32, #tpu.memory_space<hbm>>, %arg4: memref<4096x16xf32, #tpu.memory_space<hbm>>, %arg5: memref<800xi32, #tpu.memory_space<vmem>>, %arg6: memref<800xi32, #tpu.memory_space<vmem>>, %arg7: memref<800x16xf32, #tpu.memory_space<vmem>>, %arg8: memref<800x16xf32, #tpu.memory_space<vmem>>, %arg9: memref<128x16xf32, #tpu.memory_space<vmem>>, %arg10: memref<100096x16xf32, #tpu.memory_space<vmem_shared>>, %arg11: memref<!tpu.dma_semaphore, #tpu.memory_space<semaphore_mem>>, %arg12: memref<!tpu.dma_semaphore, #tpu.memory_space<semaphore_mem>>, %arg13: memref<!tpu.dma_semaphore, #tpu.memory_space<semaphore_mem>>, %arg14: memref<!tpu.dma_semaphore, #tpu.memory_space<semaphore_mem>>) attributes {dimension_semantics = [#tpu.dimension_semantics<core_parallel>, #tpu.dimension_semantics<subcore_parallel>], iteration_bounds = array<i64: 2, 16>, scalar_prefetch = 0 : i64, scratch_operands = 10 : i64, tpu.core_type = #tpu.core_type<sc_vector_subcore>, window_params = [{transform_indices = #map}, {transform_indices = #map1}, {transform_indices = #map1}]} {
    %mul3A = arith.constant 2 : i32
    %mul3A_0 = arith.muli %arg1, %mul3A : i32
    %add3A = arith.addi %mul3A_0, %arg0 : i32
    %mul3A_1 = arith.constant 25600 : i32
    %mul3A_2 = arith.muli %add3A, %mul3A_1 : i32
    %multiple_of3A = tpu.assume_multiple %mul3A_2, 8 : i32
    %mul3A_3 = arith.constant 6256 : i32
    %mul3A_4 = arith.muli %arg1, %mul3A_3 : i32
    %multiple_of3A_5 = tpu.assume_multiple %mul3A_4, 8 : i32
    "tpu.region"() ({
      %run_scoped3A = tpu.sem_alloc : memref<!tpu.dma_semaphore, #tpu.memory_space<semaphore_mem>>
      %dma_start3A_31 = arith.constant 0 : i32
      %dma_start3A_32 = tpu.memref_slice %arg10[%multiple_of3A_5, %dma_start3A_31] : memref<100096x16xf32, #tpu.memory_space<vmem_shared>> -> memref<6256x16xf32, #tpu.memory_space<vmem_shared>>
      %dma_start3A_33 = arith.constant 0 : i32
      %dma_start3A_34 = tpu.memref_slice %arg3[%multiple_of3A_5, %dma_start3A_33] : memref<100096x16xf32, #tpu.memory_space<hbm>> -> memref<6256x16xf32, #tpu.memory_space<hbm>>
      tpu.enqueue_dma source(%dma_start3A_34 : memref<6256x16xf32, #tpu.memory_space<hbm>>) target(%dma_start3A_32 : memref<6256x16xf32, #tpu.memory_space<vmem_shared>>) target_semaphore(%run_scoped3A : memref<!tpu.dma_semaphore, #tpu.memory_space<semaphore_mem>>)
      %dma_wait3A_35 = arith.constant 0 : i32
      %dma_wait3A_36 = tpu.memref_slice %arg10[%multiple_of3A_5, %dma_wait3A_35] : memref<100096x16xf32, #tpu.memory_space<vmem_shared>> -> memref<6256x16xf32, #tpu.memory_space<vmem_shared>>
      %dma_wait3A_37 = arith.constant 0 : i32
      %dma_wait3A_38 = tpu.memref_slice %arg3[%multiple_of3A_5, %dma_wait3A_37] : memref<100096x16xf32, #tpu.memory_space<hbm>> -> memref<6256x16xf32, #tpu.memory_space<hbm>>
      tpu.wait_dma2 semaphore(%run_scoped3A : memref<!tpu.dma_semaphore, #tpu.memory_space<semaphore_mem>>) src(%dma_wait3A_38 : memref<6256x16xf32, #tpu.memory_space<hbm>>) dst(%dma_wait3A_36 : memref<6256x16xf32, #tpu.memory_space<vmem_shared>>)
      tpu.yield
    }) : () -> ()
    %add3A_6 = arith.constant 0 : i32
    %add3A_7 = arith.addi %multiple_of3A, %add3A_6 : i32
    %multiple_of3A_8 = tpu.assume_multiple %add3A_7, 8 : i32
    %dma_start3A = tpu.memref_slice %arg2[%multiple_of3A_8] : memref<819200xi32, #tpu.memory_space<hbm>> -> memref<800xi32, #tpu.memory_space<hbm>>
    %dma_start3A_9 = tpu.memref_slice %arg2[%multiple_of3A_8] : memref<819200xi32, #tpu.memory_space<hbm>> -> memref<800xi32, #tpu.memory_space<hbm>>
    tpu.enqueue_dma source(%dma_start3A_9 : memref<800xi32, #tpu.memory_space<hbm>>) target(%arg5 : memref<800xi32, #tpu.memory_space<vmem>>) target_semaphore(%arg11 : memref<!tpu.dma_semaphore, #tpu.memory_space<semaphore_mem>>)
    %barrier3A = arith.constant 0 : index
    tpu.barrier barrier_id(%barrier3A)
    %add3A_10 = arith.constant 0 : i32
    %add3A_11 = arith.addi %multiple_of3A, %add3A_10 : i32
    %multiple_of3A_12 = tpu.assume_multiple %add3A_11, 8 : i32
    %dma_wait3A = tpu.memref_slice %arg2[%multiple_of3A_12] : memref<819200xi32, #tpu.memory_space<hbm>> -> memref<800xi32, #tpu.memory_space<hbm>>
    %dma_wait3A_13 = tpu.memref_slice %arg2[%multiple_of3A_12] : memref<819200xi32, #tpu.memory_space<hbm>> -> memref<800xi32, #tpu.memory_space<hbm>>
    tpu.wait_dma2 semaphore(%arg11 : memref<!tpu.dma_semaphore, #tpu.memory_space<semaphore_mem>>) src(%dma_wait3A_13 : memref<800xi32, #tpu.memory_space<hbm>>) dst(%arg5 : memref<800xi32, #tpu.memory_space<vmem>>)
    %dma_start3A_14 = arith.constant 0 : i32
    %dma_start3A_15 = arith.constant 0 : i32
    %dma_start3A_16 = tpu.memref_slice %arg10[%dma_start3A_14, %dma_start3A_15] : memref<100096x16xf32, #tpu.memory_space<vmem_shared>> -> memref<100096x16xf32, #tpu.memory_space<vmem_shared>>
    tpu.enqueue_indirect_dma source(%dma_start3A_16 : memref<100096x16xf32, #tpu.memory_space<vmem_shared>>) target(%arg7 : memref<800x16xf32, #tpu.memory_space<vmem>>) offsets(%arg5 : memref<800xi32, #tpu.memory_space<vmem>>) semaphore(%arg13 : memref<!tpu.dma_semaphore, #tpu.memory_space<semaphore_mem>>)
    %add3A_17 = arith.constant 800 : i32
    %add3A_18 = arith.addi %multiple_of3A, %add3A_17 : i32
    %multiple_of3A_19 = tpu.assume_multiple %add3A_18, 8 : i32
    %dma_start3A_20 = tpu.memref_slice %arg2[%multiple_of3A_19] : memref<819200xi32, #tpu.memory_space<hbm>> -> memref<800xi32, #tpu.memory_space<hbm>>
    %dma_start3A_21 = tpu.memref_slice %arg2[%multiple_of3A_19] : memref<819200xi32, #tpu.memory_space<hbm>> -> memref<800xi32, #tpu.memory_space<hbm>>
    tpu.enqueue_dma source(%dma_start3A_21 : memref<800xi32, #tpu.memory_space<hbm>>) target(%arg6 : memref<800xi32, #tpu.memory_space<vmem>>) target_semaphore(%arg12 : memref<!tpu.dma_semaphore, #tpu.memory_space<semaphore_mem>>)
    %scan3A = arith.constant 0 : i32
    %scan3A_22 = arith.constant 0 : i32
    %scan3A_23 = arith.constant 16 : i32
    %scan3A_24 = arith.addi %scan3A_22, %scan3A_23 : i32
    %scan3A_25 = arith.constant 1 : i32
    %scan3A_26 = scf.for %scan3A_31 = %scan3A_22 to %scan3A_24 step %scan3A_25 iter_args(%scan3A_32 = %scan3A) -> (i32)  : i32 {
      %mul3A_33 = arith.constant 2 : i32
      %mul3A_34 = arith.muli %scan3A_31, %mul3A_33 : i32
      %add3A_35 = arith.constant 1 : i32
      %add3A_36 = arith.addi %mul3A_34, %add3A_35 : i32
      %mul3A_37 = arith.constant 800 : i32
      %mul3A_38 = arith.muli %add3A_36, %mul3A_37 : i32
      %add3A_39 = arith.addi %multiple_of3A, %mul3A_38 : i32
      %multiple_of3A_40 = tpu.assume_multiple %add3A_39, 8 : i32
      %dma_wait3A_41 = tpu.memref_slice %arg2[%multiple_of3A_40] : memref<819200xi32, #tpu.memory_space<hbm>> -> memref<800xi32, #tpu.memory_space<hbm>>
      %dma_wait3A_42 = tpu.memref_slice %arg2[%multiple_of3A_40] : memref<819200xi32, #tpu.memory_space<hbm>> -> memref<800xi32, #tpu.memory_space<hbm>>
      tpu.wait_dma2 semaphore(%arg12 : memref<!tpu.dma_semaphore, #tpu.memory_space<semaphore_mem>>) src(%dma_wait3A_42 : memref<800xi32, #tpu.memory_space<hbm>>) dst(%arg6 : memref<800xi32, #tpu.memory_space<vmem>>)
      %dma_start3A_43 = arith.constant 0 : i32
      %dma_start3A_44 = arith.constant 0 : i32
      %dma_start3A_45 = tpu.memref_slice %arg10[%dma_start3A_43, %dma_start3A_44] : memref<100096x16xf32, #tpu.memory_space<vmem_shared>> -> memref<100096x16xf32, #tpu.memory_space<vmem_shared>>
      tpu.enqueue_indirect_dma source(%dma_start3A_45 : memref<100096x16xf32, #tpu.memory_space<vmem_shared>>) target(%arg8 : memref<800x16xf32, #tpu.memory_space<vmem>>) offsets(%arg6 : memref<800xi32, #tpu.memory_space<vmem>>) semaphore(%arg14 : memref<!tpu.dma_semaphore, #tpu.memory_space<semaphore_mem>>)
      %dma_wait3A_46 = arith.constant 0 : i32
      %dma_wait3A_47 = arith.constant 0 : i32
      %dma_wait3A_48 = tpu.memref_slice %arg10[%dma_wait3A_46, %dma_wait3A_47] : memref<100096x16xf32, #tpu.memory_space<vmem_shared>> -> memref<100096x16xf32, #tpu.memory_space<vmem_shared>>
      tpu.wait_indirect_dma semaphore(%arg13 : memref<!tpu.dma_semaphore, #tpu.memory_space<semaphore_mem>>) src(%dma_wait3A_48 : memref<100096x16xf32, #tpu.memory_space<vmem_shared>>) dst(%arg7 : memref<800x16xf32, #tpu.memory_space<vmem>>)
      %add3A_49 = arith.constant 2 : i32
      %add3A_50 = arith.addi %mul3A_34, %add3A_49 : i32
      %lt3A = arith.constant 32 : i32
      %lt3A_51 = arith.cmpi slt, %add3A_50, %lt3A : i32
      %convert_element_type3A = arith.extui %lt3A_51 : i1 to i32
      %cond3A = arith.constant 0 : i32
      %cond3A_52 = arith.cmpi ne, %convert_element_type3A, %cond3A : i32
      scf.if %cond3A_52 {
        %add3A_231 = arith.constant 2 : i32
        %add3A_232 = arith.addi %mul3A_34, %add3A_231 : i32
        %mul3A_233 = arith.constant 800 : i32
        %mul3A_234 = arith.muli %add3A_232, %mul3A_233 : i32
        %add3A_235 = arith.addi %multiple_of3A, %mul3A_234 : i32
        %multiple_of3A_236 = tpu.assume_multiple %add3A_235, 8 : i32
        %dma_start3A_237 = tpu.memref_slice %arg2[%multiple_of3A_236] : memref<819200xi32, #tpu.memory_space<hbm>> -> memref<800xi32, #tpu.memory_space<hbm>>
        %dma_start3A_238 = tpu.memref_slice %arg2[%multiple_of3A_236] : memref<819200xi32, #tpu.memory_space<hbm>> -> memref<800xi32, #tpu.memory_space<hbm>>
        tpu.enqueue_dma source(%dma_start3A_238 : memref<800xi32, #tpu.memory_space<hbm>>) target(%arg5 : memref<800xi32, #tpu.memory_space<vmem>>) target_semaphore(%arg11 : memref<!tpu.dma_semaphore, #tpu.memory_space<semaphore_mem>>)
      } else {
      }
      %broadcast_in_dim3A = arith.constant 0.000000e+00 : f32
      %broadcast_in_dim3A_53 = vector.broadcast %broadcast_in_dim3A : f32 to vector<16xf32>
      %scan3A_54 = arith.constant 0 : i32
      %scan3A_55 = arith.constant 50 : i32
      %scan3A_56 = arith.addi %scan3A_54, %scan3A_55 : i32
      %scan3A_57 = arith.constant 5 : i32
      %scan3A_58:4 = scf.for %scan3A_231 = %scan3A_54 to %scan3A_56 step %scan3A_57 iter_args(%scan3A_232 = %broadcast_in_dim3A_53, %scan3A_233 = %broadcast_in_dim3A_53, %scan3A_234 = %broadcast_in_dim3A_53, %scan3A_235 = %broadcast_in_dim3A_53) -> (vector<16xf32>, vector<16xf32>, vector<16xf32>, vector<16xf32>)  : i32 {
        %mul3A_236 = arith.constant 4 : i32
        %mul3A_237 = arith.muli %scan3A_231, %mul3A_236 : i32
        %add3A_238 = arith.constant 0 : i32
        %add3A_239 = arith.addi %add3A_238, %mul3A_237 : i32
        %get3A = arith.index_cast %add3A_239 : i32 to index
        %get3A_240 = arith.constant 0 : index
        %get3A_241 = tpu.vector_load %arg7[%get3A, %get3A_240] {strides = array<i32>} : memref<800x16xf32, #tpu.memory_space<vmem>>, vector<1x16xf32>,
        %get3A_242 = vector.shape_cast %get3A_241 : vector<1x16xf32> to vector<16xf32>
        %add3A_243 = arith.addf %scan3A_232, %get3A_242 : vector<16xf32>
        %add3A_244 = arith.constant 1 : i32
        %add3A_245 = arith.addi %add3A_239, %add3A_244 : i32
        %get3A_246 = arith.index_cast %add3A_245 : i32 to index
        %get3A_247 = arith.constant 0 : index
        %get3A_248 = tpu.vector_load %arg7[%get3A_246, %get3A_247] {strides = array<i32>} : memref<800x16xf32, #tpu.memory_space<vmem>>, vector<1x16xf32>,
        %get3A_249 = vector.shape_cast %get3A_248 : vector<1x16xf32> to vector<16xf32>
        %add3A_250 = arith.addf %scan3A_233, %get3A_249 : vector<16xf32>
        %add3A_251 = arith.constant 2 : i32
        %add3A_252 = arith.addi %add3A_239, %add3A_251 : i32
        %get3A_253 = arith.index_cast %add3A_252 : i32 to index
        %get3A_254 = arith.constant 0 : index
        %get3A_255 = tpu.vector_load %arg7[%get3A_253, %get3A_254] {strides = array<i32>} : memref<800x16xf32, #tpu.memory_space<vmem>>, vector<1x16xf32>,
        %get3A_256 = vector.shape_cast %get3A_255 : vector<1x16xf32> to vector<16xf32>
        %add3A_257 = arith.addf %scan3A_234, %get3A_256 : vector<16xf32>
        %add3A_258 = arith.constant 3 : i32
        %add3A_259 = arith.addi %add3A_239, %add3A_258 : i32
        %get3A_260 = arith.index_cast %add3A_259 : i32 to index
        %get3A_261 = arith.constant 0 : index
        %get3A_262 = tpu.vector_load %arg7[%get3A_260, %get3A_261] {strides = array<i32>} : memref<800x16xf32, #tpu.memory_space<vmem>>, vector<1x16xf32>,
        %get3A_263 = vector.shape_cast %get3A_262 : vector<1x16xf32> to vector<16xf32>
        %add3A_264 = arith.addf %scan3A_235, %get3A_263 : vector<16xf32>
        %scan3A_265 = arith.constant 1 : i32
        %scan3A_266 = arith.addi %scan3A_231, %scan3A_265 : i32
        %mul3A_267 = arith.constant 4 : i32
        %mul3A_268 = arith.muli %scan3A_266, %mul3A_267 : i32
        %add3A_269 = arith.constant 0 : i32
        %add3A_270 = arith.addi %add3A_269, %mul3A_268 : i32
        %get3A_271 = arith.index_cast %add3A_270 : i32 to index
        %get3A_272 = arith.constant 0 : index
        %get3A_273 = tpu.vector_load %arg7[%get3A_271, %get3A_272] {strides = array<i32>} : memref<800x16xf32, #tpu.memory_space<vmem>>, vector<1x16xf32>,
        %get3A_274 = vector.shape_cast %get3A_273 : vector<1x16xf32> to vector<16xf32>
        %add3A_275 = arith.addf %add3A_243, %get3A_274 : vector<16xf32>
        %add3A_276 = arith.constant 1 : i32
        %add3A_277 = arith.addi %add3A_270, %add3A_276 : i32
        %get3A_278 = arith.index_cast %add3A_277 : i32 to index
        %get3A_279 = arith.constant 0 : index
        %get3A_280 = tpu.vector_load %arg7[%get3A_278, %get3A_279] {strides = array<i32>} : memref<800x16xf32, #tpu.memory_space<vmem>>, vector<1x16xf32>,
        %get3A_281 = vector.shape_cast %get3A_280 : vector<1x16xf32> to vector<16xf32>
        %add3A_282 = arith.addf %add3A_250, %get3A_281 : vector<16xf32>
        %add3A_283 = arith.constant 2 : i32
        %add3A_284 = arith.addi %add3A_270, %add3A_283 : i32
        %get3A_285 = arith.index_cast %add3A_284 : i32 to index
        %get3A_286 = arith.constant 0 : index
        %get3A_287 = tpu.vector_load %arg7[%get3A_285, %get3A_286] {strides = array<i32>} : memref<800x16xf32, #tpu.memory_space<vmem>>, vector<1x16xf32>,
        %get3A_288 = vector.shape_cast %get3A_287 : vector<1x16xf32> to vector<16xf32>
        %add3A_289 = arith.addf %add3A_257, %get3A_288 : vector<16xf32>
        %add3A_290 = arith.constant 3 : i32
        %add3A_291 = arith.addi %add3A_270, %add3A_290 : i32
        %get3A_292 = arith.index_cast %add3A_291 : i32 to index
        %get3A_293 = arith.constant 0 : index
        %get3A_294 = tpu.vector_load %arg7[%get3A_292, %get3A_293] {strides = array<i32>} : memref<800x16xf32, #tpu.memory_space<vmem>>, vector<1x16xf32>,
        %get3A_295 = vector.shape_cast %get3A_294 : vector<1x16xf32> to vector<16xf32>
        %add3A_296 = arith.addf %add3A_264, %get3A_295 : vector<16xf32>
        %scan3A_297 = arith.constant 2 : i32
        %scan3A_298 = arith.addi %scan3A_231, %scan3A_297 : i32
        %mul3A_299 = arith.constant 4 : i32
        %mul3A_300 = arith.muli %scan3A_298, %mul3A_299 : i32
        %add3A_301 = arith.constant 0 : i32
        %add3A_302 = arith.addi %add3A_301, %mul3A_300 : i32
        %get3A_303 = arith.index_cast %add3A_302 : i32 to index
        %get3A_304 = arith.constant 0 : index
        %get3A_305 = tpu.vector_load %arg7[%get3A_303, %get3A_304] {strides = array<i32>} : memref<800x16xf32, #tpu.memory_space<vmem>>, vector<1x16xf32>,
        %get3A_306 = vector.shape_cast %get3A_305 : vector<1x16xf32> to vector<16xf32>
        %add3A_307 = arith.addf %add3A_275, %get3A_306 : vector<16xf32>
        %add3A_308 = arith.constant 1 : i32
        %add3A_309 = arith.addi %add3A_302, %add3A_308 : i32
        %get3A_310 = arith.index_cast %add3A_309 : i32 to index
        %get3A_311 = arith.constant 0 : index
        %get3A_312 = tpu.vector_load %arg7[%get3A_310, %get3A_311] {strides = array<i32>} : memref<800x16xf32, #tpu.memory_space<vmem>>, vector<1x16xf32>,
        %get3A_313 = vector.shape_cast %get3A_312 : vector<1x16xf32> to vector<16xf32>
        %add3A_314 = arith.addf %add3A_282, %get3A_313 : vector<16xf32>
        %add3A_315 = arith.constant 2 : i32
        %add3A_316 = arith.addi %add3A_302, %add3A_315 : i32
        %get3A_317 = arith.index_cast %add3A_316 : i32 to index
        %get3A_318 = arith.constant 0 : index
        %get3A_319 = tpu.vector_load %arg7[%get3A_317, %get3A_318] {strides = array<i32>} : memref<800x16xf32, #tpu.memory_space<vmem>>, vector<1x16xf32>,
        %get3A_320 = vector.shape_cast %get3A_319 : vector<1x16xf32> to vector<16xf32>
        %add3A_321 = arith.addf %add3A_289, %get3A_320 : vector<16xf32>
        %add3A_322 = arith.constant 3 : i32
        %add3A_323 = arith.addi %add3A_302, %add3A_322 : i32
        %get3A_324 = arith.index_cast %add3A_323 : i32 to index
        %get3A_325 = arith.constant 0 : index
        %get3A_326 = tpu.vector_load %arg7[%get3A_324, %get3A_325] {strides = array<i32>} : memref<800x16xf32, #tpu.memory_space<vmem>>, vector<1x16xf32>,
        %get3A_327 = vector.shape_cast %get3A_326 : vector<1x16xf32> to vector<16xf32>
        %add3A_328 = arith.addf %add3A_296, %get3A_327 : vector<16xf32>
        %scan3A_329 = arith.constant 3 : i32
        %scan3A_330 = arith.addi %scan3A_231, %scan3A_329 : i32
        %mul3A_331 = arith.constant 4 : i32
        %mul3A_332 = arith.muli %scan3A_330, %mul3A_331 : i32
        %add3A_333 = arith.constant 0 : i32
        %add3A_334 = arith.addi %add3A_333, %mul3A_332 : i32
        %get3A_335 = arith.index_cast %add3A_334 : i32 to index
        %get3A_336 = arith.constant 0 : index
        %get3A_337 = tpu.vector_load %arg7[%get3A_335, %get3A_336] {strides = array<i32>} : memref<800x16xf32, #tpu.memory_space<vmem>>, vector<1x16xf32>,
        %get3A_338 = vector.shape_cast %get3A_337 : vector<1x16xf32> to vector<16xf32>
        %add3A_339 = arith.addf %add3A_307, %get3A_338 : vector<16xf32>
        %add3A_340 = arith.constant 1 : i32
        %add3A_341 = arith.addi %add3A_334, %add3A_340 : i32
        %get3A_342 = arith.index_cast %add3A_341 : i32 to index
        %get3A_343 = arith.constant 0 : index
        %get3A_344 = tpu.vector_load %arg7[%get3A_342, %get3A_343] {strides = array<i32>} : memref<800x16xf32, #tpu.memory_space<vmem>>, vector<1x16xf32>,
        %get3A_345 = vector.shape_cast %get3A_344 : vector<1x16xf32> to vector<16xf32>
        %add3A_346 = arith.addf %add3A_314, %get3A_345 : vector<16xf32>
        %add3A_347 = arith.constant 2 : i32
        %add3A_348 = arith.addi %add3A_334, %add3A_347 : i32
        %get3A_349 = arith.index_cast %add3A_348 : i32 to index
        %get3A_350 = arith.constant 0 : index
        %get3A_351 = tpu.vector_load %arg7[%get3A_349, %get3A_350] {strides = array<i32>} : memref<800x16xf32, #tpu.memory_space<vmem>>, vector<1x16xf32>,
        %get3A_352 = vector.shape_cast %get3A_351 : vector<1x16xf32> to vector<16xf32>
        %add3A_353 = arith.addf %add3A_321, %get3A_352 : vector<16xf32>
        %add3A_354 = arith.constant 3 : i32
        %add3A_355 = arith.addi %add3A_334, %add3A_354 : i32
        %get3A_356 = arith.index_cast %add3A_355 : i32 to index
        %get3A_357 = arith.constant 0 : index
        %get3A_358 = tpu.vector_load %arg7[%get3A_356, %get3A_357] {strides = array<i32>} : memref<800x16xf32, #tpu.memory_space<vmem>>, vector<1x16xf32>,
        %get3A_359 = vector.shape_cast %get3A_358 : vector<1x16xf32> to vector<16xf32>
        %add3A_360 = arith.addf %add3A_328, %get3A_359 : vector<16xf32>
        %scan3A_361 = arith.constant 4 : i32
        %scan3A_362 = arith.addi %scan3A_231, %scan3A_361 : i32
        %mul3A_363 = arith.constant 4 : i32
        %mul3A_364 = arith.muli %scan3A_362, %mul3A_363 : i32
        %add3A_365 = arith.constant 0 : i32
        %add3A_366 = arith.addi %add3A_365, %mul3A_364 : i32
        %get3A_367 = arith.index_cast %add3A_366 : i32 to index
        %get3A_368 = arith.constant 0 : index
        %get3A_369 = tpu.vector_load %arg7[%get3A_367, %get3A_368] {strides = array<i32>} : memref<800x16xf32, #tpu.memory_space<vmem>>, vector<1x16xf32>,
        %get3A_370 = vector.shape_cast %get3A_369 : vector<1x16xf32> to vector<16xf32>
        %add3A_371 = arith.addf %add3A_339, %get3A_370 : vector<16xf32>
        %add3A_372 = arith.constant 1 : i32
        %add3A_373 = arith.addi %add3A_366, %add3A_372 : i32
        %get3A_374 = arith.index_cast %add3A_373 : i32 to index
        %get3A_375 = arith.constant 0 : index
        %get3A_376 = tpu.vector_load %arg7[%get3A_374, %get3A_375] {strides = array<i32>} : memref<800x16xf32, #tpu.memory_space<vmem>>, vector<1x16xf32>,
        %get3A_377 = vector.shape_cast %get3A_376 : vector<1x16xf32> to vector<16xf32>
        %add3A_378 = arith.addf %add3A_346, %get3A_377 : vector<16xf32>
        %add3A_379 = arith.constant 2 : i32
        %add3A_380 = arith.addi %add3A_366, %add3A_379 : i32
        %get3A_381 = arith.index_cast %add3A_380 : i32 to index
        %get3A_382 = arith.constant 0 : index
        %get3A_383 = tpu.vector_load %arg7[%get3A_381, %get3A_382] {strides = array<i32>} : memref<800x16xf32, #tpu.memory_space<vmem>>, vector<1x16xf32>,
        %get3A_384 = vector.shape_cast %get3A_383 : vector<1x16xf32> to vector<16xf32>
        %add3A_385 = arith.addf %add3A_353, %get3A_384 : vector<16xf32>
        %add3A_386 = arith.constant 3 : i32
        %add3A_387 = arith.addi %add3A_366, %add3A_386 : i32
        %get3A_388 = arith.index_cast %add3A_387 : i32 to index
        %get3A_389 = arith.constant 0 : index
        %get3A_390 = tpu.vector_load %arg7[%get3A_388, %get3A_389] {strides = array<i32>} : memref<800x16xf32, #tpu.memory_space<vmem>>, vector<1x16xf32>,
        %get3A_391 = vector.shape_cast %get3A_390 : vector<1x16xf32> to vector<16xf32>
        %add3A_392 = arith.addf %add3A_360, %get3A_391 : vector<16xf32>
        scf.yield %add3A_371, %add3A_378, %add3A_385, %add3A_392 : vector<16xf32>, vector<16xf32>, vector<16xf32>, vector<16xf32>
      }
      %scan3A_59 = arith.constant 50 : i32
      %add3A_60 = arith.addf %scan3A_58#0, %scan3A_58#1 : vector<16xf32>
      %add3A_61 = arith.addf %scan3A_58#2, %scan3A_58#3 : vector<16xf32>
      %add3A_62 = arith.addf %add3A_60, %add3A_61 : vector<16xf32>
      %mul3A_63 = arith.constant 4 : i32
      %mul3A_64 = arith.muli %mul3A_34, %mul3A_63 : i32
      %add3A_65 = arith.constant 0 : i32
      %add3A_66 = arith.addi %mul3A_64, %add3A_65 : i32
      %swap3A = arith.index_cast %add3A_66 : i32 to index
      %swap3A_67 = arith.constant 0 : index
      %swap3A_68 = tpu.vector_load %arg9[%swap3A, %swap3A_67] {strides = array<i32>} : memref<128x16xf32, #tpu.memory_space<vmem>>, vector<1x16xf32>,
      %swap3A_69 = vector.shape_cast %swap3A_68 : vector<1x16xf32> to vector<16xf32>
      %swap3A_70 = vector.shape_cast %add3A_62 : vector<16xf32> to vector<1x16xf32>
      tpu.vector_store %arg9[%swap3A, %swap3A_67], %swap3A_70 {strides = array<i32>} : memref<128x16xf32, #tpu.memory_space<vmem>>, vector<1x16xf32>,
      %broadcast_in_dim3A_71 = arith.constant 0.000000e+00 : f32
      %broadcast_in_dim3A_72 = vector.broadcast %broadcast_in_dim3A_71 : f32 to vector<16xf32>
      %scan3A_73 = arith.constant 0 : i32
      %scan3A_74 = arith.constant 50 : i32
      %scan3A_75 = arith.addi %scan3A_73, %scan3A_74 : i32
      %scan3A_76 = arith.constant 5 : i32
      %scan3A_77:4 = scf.for %scan3A_231 = %scan3A_73 to %scan3A_75 step %scan3A_76 iter_args(%scan3A_232 = %broadcast_in_dim3A_72, %scan3A_233 = %broadcast_in_dim3A_72, %scan3A_234 = %broadcast_in_dim3A_72, %scan3A_235 = %broadcast_in_dim3A_72) -> (vector<16xf32>, vector<16xf32>, vector<16xf32>, vector<16xf32>)  : i32 {
        %mul3A_236 = arith.constant 4 : i32
        %mul3A_237 = arith.muli %scan3A_231, %mul3A_236 : i32
        %add3A_238 = arith.constant 200 : i32
        %add3A_239 = arith.addi %add3A_238, %mul3A_237 : i32
        %get3A = arith.index_cast %add3A_239 : i32 to index
        %get3A_240 = arith.constant 0 : index
        %get3A_241 = tpu.vector_load %arg7[%get3A, %get3A_240] {strides = array<i32>} : memref<800x16xf32, #tpu.memory_space<vmem>>, vector<1x16xf32>,
        %get3A_242 = vector.shape_cast %get3A_241 : vector<1x16xf32> to vector<16xf32>
        %add3A_243 = arith.addf %scan3A_232, %get3A_242 : vector<16xf32>
        %add3A_244 = arith.constant 1 : i32
        %add3A_245 = arith.addi %add3A_239, %add3A_244 : i32
        %get3A_246 = arith.index_cast %add3A_245 : i32 to index
        %get3A_247 = arith.constant 0 : index
        %get3A_248 = tpu.vector_load %arg7[%get3A_246, %get3A_247] {strides = array<i32>} : memref<800x16xf32, #tpu.memory_space<vmem>>, vector<1x16xf32>,
        %get3A_249 = vector.shape_cast %get3A_248 : vector<1x16xf32> to vector<16xf32>
        %add3A_250 = arith.addf %scan3A_233, %get3A_249 : vector<16xf32>
        %add3A_251 = arith.constant 2 : i32
        %add3A_252 = arith.addi %add3A_239, %add3A_251 : i32
        %get3A_253 = arith.index_cast %add3A_252 : i32 to index
        %get3A_254 = arith.constant 0 : index
        %get3A_255 = tpu.vector_load %arg7[%get3A_253, %get3A_254] {strides = array<i32>} : memref<800x16xf32, #tpu.memory_space<vmem>>, vector<1x16xf32>,
        %get3A_256 = vector.shape_cast %get3A_255 : vector<1x16xf32> to vector<16xf32>
        %add3A_257 = arith.addf %scan3A_234, %get3A_256 : vector<16xf32>
        %add3A_258 = arith.constant 3 : i32
        %add3A_259 = arith.addi %add3A_239, %add3A_258 : i32
        %get3A_260 = arith.index_cast %add3A_259 : i32 to index
        %get3A_261 = arith.constant 0 : index
        %get3A_262 = tpu.vector_load %arg7[%get3A_260, %get3A_261] {strides = array<i32>} : memref<800x16xf32, #tpu.memory_space<vmem>>, vector<1x16xf32>,
        %get3A_263 = vector.shape_cast %get3A_262 : vector<1x16xf32> to vector<16xf32>
        %add3A_264 = arith.addf %scan3A_235, %get3A_263 : vector<16xf32>
        %scan3A_265 = arith.constant 1 : i32
        %scan3A_266 = arith.addi %scan3A_231, %scan3A_265 : i32
        %mul3A_267 = arith.constant 4 : i32
        %mul3A_268 = arith.muli %scan3A_266, %mul3A_267 : i32
        %add3A_269 = arith.constant 200 : i32
        %add3A_270 = arith.addi %add3A_269, %mul3A_268 : i32
        %get3A_271 = arith.index_cast %add3A_270 : i32 to index
        %get3A_272 = arith.constant 0 : index
        %get3A_273 = tpu.vector_load %arg7[%get3A_271, %get3A_272] {strides = array<i32>} : memref<800x16xf32, #tpu.memory_space<vmem>>, vector<1x16xf32>,
        %get3A_274 = vector.shape_cast %get3A_273 : vector<1x16xf32> to vector<16xf32>
        %add3A_275 = arith.addf %add3A_243, %get3A_274 : vector<16xf32>
        %add3A_276 = arith.constant 1 : i32
        %add3A_277 = arith.addi %add3A_270, %add3A_276 : i32
        %get3A_278 = arith.index_cast %add3A_277 : i32 to index
        %get3A_279 = arith.constant 0 : index
        %get3A_280 = tpu.vector_load %arg7[%get3A_278, %get3A_279] {strides = array<i32>} : memref<800x16xf32, #tpu.memory_space<vmem>>, vector<1x16xf32>,
        %get3A_281 = vector.shape_cast %get3A_280 : vector<1x16xf32> to vector<16xf32>
        %add3A_282 = arith.addf %add3A_250, %get3A_281 : vector<16xf32>
        %add3A_283 = arith.constant 2 : i32
        %add3A_284 = arith.addi %add3A_270, %add3A_283 : i32
        %get3A_285 = arith.index_cast %add3A_284 : i32 to index
        %get3A_286 = arith.constant 0 : index
        %get3A_287 = tpu.vector_load %arg7[%get3A_285, %get3A_286] {strides = array<i32>} : memref<800x16xf32, #tpu.memory_space<vmem>>, vector<1x16xf32>,
        %get3A_288 = vector.shape_cast %get3A_287 : vector<1x16xf32> to vector<16xf32>
        %add3A_289 = arith.addf %add3A_257, %get3A_288 : vector<16xf32>
        %add3A_290 = arith.constant 3 : i32
        %add3A_291 = arith.addi %add3A_270, %add3A_290 : i32
        %get3A_292 = arith.index_cast %add3A_291 : i32 to index
        %get3A_293 = arith.constant 0 : index
        %get3A_294 = tpu.vector_load %arg7[%get3A_292, %get3A_293] {strides = array<i32>} : memref<800x16xf32, #tpu.memory_space<vmem>>, vector<1x16xf32>,
        %get3A_295 = vector.shape_cast %get3A_294 : vector<1x16xf32> to vector<16xf32>
        %add3A_296 = arith.addf %add3A_264, %get3A_295 : vector<16xf32>
        %scan3A_297 = arith.constant 2 : i32
        %scan3A_298 = arith.addi %scan3A_231, %scan3A_297 : i32
        %mul3A_299 = arith.constant 4 : i32
        %mul3A_300 = arith.muli %scan3A_298, %mul3A_299 : i32
        %add3A_301 = arith.constant 200 : i32
        %add3A_302 = arith.addi %add3A_301, %mul3A_300 : i32
        %get3A_303 = arith.index_cast %add3A_302 : i32 to index
        %get3A_304 = arith.constant 0 : index
        %get3A_305 = tpu.vector_load %arg7[%get3A_303, %get3A_304] {strides = array<i32>} : memref<800x16xf32, #tpu.memory_space<vmem>>, vector<1x16xf32>,
        %get3A_306 = vector.shape_cast %get3A_305 : vector<1x16xf32> to vector<16xf32>
        %add3A_307 = arith.addf %add3A_275, %get3A_306 : vector<16xf32>
        %add3A_308 = arith.constant 1 : i32
        %add3A_309 = arith.addi %add3A_302, %add3A_308 : i32
        %get3A_310 = arith.index_cast %add3A_309 : i32 to index
        %get3A_311 = arith.constant 0 : index
        %get3A_312 = tpu.vector_load %arg7[%get3A_310, %get3A_311] {strides = array<i32>} : memref<800x16xf32, #tpu.memory_space<vmem>>, vector<1x16xf32>,
        %get3A_313 = vector.shape_cast %get3A_312 : vector<1x16xf32> to vector<16xf32>
        %add3A_314 = arith.addf %add3A_282, %get3A_313 : vector<16xf32>
        %add3A_315 = arith.constant 2 : i32
        %add3A_316 = arith.addi %add3A_302, %add3A_315 : i32
        %get3A_317 = arith.index_cast %add3A_316 : i32 to index
        %get3A_318 = arith.constant 0 : index
        %get3A_319 = tpu.vector_load %arg7[%get3A_317, %get3A_318] {strides = array<i32>} : memref<800x16xf32, #tpu.memory_space<vmem>>, vector<1x16xf32>,
        %get3A_320 = vector.shape_cast %get3A_319 : vector<1x16xf32> to vector<16xf32>
        %add3A_321 = arith.addf %add3A_289, %get3A_320 : vector<16xf32>
        %add3A_322 = arith.constant 3 : i32
        %add3A_323 = arith.addi %add3A_302, %add3A_322 : i32
        %get3A_324 = arith.index_cast %add3A_323 : i32 to index
        %get3A_325 = arith.constant 0 : index
        %get3A_326 = tpu.vector_load %arg7[%get3A_324, %get3A_325] {strides = array<i32>} : memref<800x16xf32, #tpu.memory_space<vmem>>, vector<1x16xf32>,
        %get3A_327 = vector.shape_cast %get3A_326 : vector<1x16xf32> to vector<16xf32>
        %add3A_328 = arith.addf %add3A_296, %get3A_327 : vector<16xf32>
        %scan3A_329 = arith.constant 3 : i32
        %scan3A_330 = arith.addi %scan3A_231, %scan3A_329 : i32
        %mul3A_331 = arith.constant 4 : i32
        %mul3A_332 = arith.muli %scan3A_330, %mul3A_331 : i32
        %add3A_333 = arith.constant 200 : i32
        %add3A_334 = arith.addi %add3A_333, %mul3A_332 : i32
        %get3A_335 = arith.index_cast %add3A_334 : i32 to index
        %get3A_336 = arith.constant 0 : index
        %get3A_337 = tpu.vector_load %arg7[%get3A_335, %get3A_336] {strides = array<i32>} : memref<800x16xf32, #tpu.memory_space<vmem>>, vector<1x16xf32>,
        %get3A_338 = vector.shape_cast %get3A_337 : vector<1x16xf32> to vector<16xf32>
        %add3A_339 = arith.addf %add3A_307, %get3A_338 : vector<16xf32>
        %add3A_340 = arith.constant 1 : i32
        %add3A_341 = arith.addi %add3A_334, %add3A_340 : i32
        %get3A_342 = arith.index_cast %add3A_341 : i32 to index
        %get3A_343 = arith.constant 0 : index
        %get3A_344 = tpu.vector_load %arg7[%get3A_342, %get3A_343] {strides = array<i32>} : memref<800x16xf32, #tpu.memory_space<vmem>>, vector<1x16xf32>,
        %get3A_345 = vector.shape_cast %get3A_344 : vector<1x16xf32> to vector<16xf32>
        %add3A_346 = arith.addf %add3A_314, %get3A_345 : vector<16xf32>
        %add3A_347 = arith.constant 2 : i32
        %add3A_348 = arith.addi %add3A_334, %add3A_347 : i32
        %get3A_349 = arith.index_cast %add3A_348 : i32 to index
        %get3A_350 = arith.constant 0 : index
        %get3A_351 = tpu.vector_load %arg7[%get3A_349, %get3A_350] {strides = array<i32>} : memref<800x16xf32, #tpu.memory_space<vmem>>, vector<1x16xf32>,
        %get3A_352 = vector.shape_cast %get3A_351 : vector<1x16xf32> to vector<16xf32>
        %add3A_353 = arith.addf %add3A_321, %get3A_352 : vector<16xf32>
        %add3A_354 = arith.constant 3 : i32
        %add3A_355 = arith.addi %add3A_334, %add3A_354 : i32
        %get3A_356 = arith.index_cast %add3A_355 : i32 to index
        %get3A_357 = arith.constant 0 : index
        %get3A_358 = tpu.vector_load %arg7[%get3A_356, %get3A_357] {strides = array<i32>} : memref<800x16xf32, #tpu.memory_space<vmem>>, vector<1x16xf32>,
        %get3A_359 = vector.shape_cast %get3A_358 : vector<1x16xf32> to vector<16xf32>
        %add3A_360 = arith.addf %add3A_328, %get3A_359 : vector<16xf32>
        %scan3A_361 = arith.constant 4 : i32
        %scan3A_362 = arith.addi %scan3A_231, %scan3A_361 : i32
        %mul3A_363 = arith.constant 4 : i32
        %mul3A_364 = arith.muli %scan3A_362, %mul3A_363 : i32
        %add3A_365 = arith.constant 200 : i32
        %add3A_366 = arith.addi %add3A_365, %mul3A_364 : i32
        %get3A_367 = arith.index_cast %add3A_366 : i32 to index
        %get3A_368 = arith.constant 0 : index
        %get3A_369 = tpu.vector_load %arg7[%get3A_367, %get3A_368] {strides = array<i32>} : memref<800x16xf32, #tpu.memory_space<vmem>>, vector<1x16xf32>,
        %get3A_370 = vector.shape_cast %get3A_369 : vector<1x16xf32> to vector<16xf32>
        %add3A_371 = arith.addf %add3A_339, %get3A_370 : vector<16xf32>
        %add3A_372 = arith.constant 1 : i32
        %add3A_373 = arith.addi %add3A_366, %add3A_372 : i32
        %get3A_374 = arith.index_cast %add3A_373 : i32 to index
        %get3A_375 = arith.constant 0 : index
        %get3A_376 = tpu.vector_load %arg7[%get3A_374, %get3A_375] {strides = array<i32>} : memref<800x16xf32, #tpu.memory_space<vmem>>, vector<1x16xf32>,
        %get3A_377 = vector.shape_cast %get3A_376 : vector<1x16xf32> to vector<16xf32>
        %add3A_378 = arith.addf %add3A_346, %get3A_377 : vector<16xf32>
        %add3A_379 = arith.constant 2 : i32
        %add3A_380 = arith.addi %add3A_366, %add3A_379 : i32
        %get3A_381 = arith.index_cast %add3A_380 : i32 to index
        %get3A_382 = arith.constant 0 : index
        %get3A_383 = tpu.vector_load %arg7[%get3A_381, %get3A_382] {strides = array<i32>} : memref<800x16xf32, #tpu.memory_space<vmem>>, vector<1x16xf32>,
        %get3A_384 = vector.shape_cast %get3A_383 : vector<1x16xf32> to vector<16xf32>
        %add3A_385 = arith.addf %add3A_353, %get3A_384 : vector<16xf32>
        %add3A_386 = arith.constant 3 : i32
        %add3A_387 = arith.addi %add3A_366, %add3A_386 : i32
        %get3A_388 = arith.index_cast %add3A_387 : i32 to index
        %get3A_389 = arith.constant 0 : index
        %get3A_390 = tpu.vector_load %arg7[%get3A_388, %get3A_389] {strides = array<i32>} : memref<800x16xf32, #tpu.memory_space<vmem>>, vector<1x16xf32>,
        %get3A_391 = vector.shape_cast %get3A_390 : vector<1x16xf32> to vector<16xf32>
        %add3A_392 = arith.addf %add3A_360, %get3A_391 : vector<16xf32>
        scf.yield %add3A_371, %add3A_378, %add3A_385, %add3A_392 : vector<16xf32>, vector<16xf32>, vector<16xf32>, vector<16xf32>
      }
      %scan3A_78 = arith.constant 50 : i32
      %add3A_79 = arith.addf %scan3A_77#0, %scan3A_77#1 : vector<16xf32>
      %add3A_80 = arith.addf %scan3A_77#2, %scan3A_77#3 : vector<16xf32>
      %add3A_81 = arith.addf %add3A_79, %add3A_80 : vector<16xf32>
      %mul3A_82 = arith.constant 4 : i32
      %mul3A_83 = arith.muli %mul3A_34, %mul3A_82 : i32
      %add3A_84 = arith.constant 1 : i32
      %add3A_85 = arith.addi %mul3A_83, %add3A_84 : i32
      %swap3A_86 = arith.index_cast %add3A_85 : i32 to index
      %swap3A_87 = arith.constant 0 : index
      %swap3A_88 = tpu.vector_load %arg9[%swap3A_86, %swap3A_87] {strides = array<i32>} : memref<128x16xf32, #tpu.memory_space<vmem>>, vector<1x16xf32>,
      %swap3A_89 = vector.shape_cast %swap3A_88 : vector<1x16xf32> to vector<16xf32>
      %swap3A_90 = vector.shape_cast %add3A_81 : vector<16xf32> to vector<1x16xf32>
      tpu.vector_store %arg9[%swap3A_86, %swap3A_87], %swap3A_90 {strides = array<i32>} : memref<128x16xf32, #tpu.memory_space<vmem>>, vector<1x16xf32>,
      %broadcast_in_dim3A_91 = arith.constant 0.000000e+00 : f32
      %broadcast_in_dim3A_92 = vector.broadcast %broadcast_in_dim3A_91 : f32 to vector<16xf32>
      %scan3A_93 = arith.constant 0 : i32
      %scan3A_94 = arith.constant 50 : i32
      %scan3A_95 = arith.addi %scan3A_93, %scan3A_94 : i32
      %scan3A_96 = arith.constant 5 : i32
      %scan3A_97:4 = scf.for %scan3A_231 = %scan3A_93 to %scan3A_95 step %scan3A_96 iter_args(%scan3A_232 = %broadcast_in_dim3A_92, %scan3A_233 = %broadcast_in_dim3A_92, %scan3A_234 = %broadcast_in_dim3A_92, %scan3A_235 = %broadcast_in_dim3A_92) -> (vector<16xf32>, vector<16xf32>, vector<16xf32>, vector<16xf32>)  : i32 {
        %mul3A_236 = arith.constant 4 : i32
        %mul3A_237 = arith.muli %scan3A_231, %mul3A_236 : i32
        %add3A_238 = arith.constant 400 : i32
        %add3A_239 = arith.addi %add3A_238, %mul3A_237 : i32
        %get3A = arith.index_cast %add3A_239 : i32 to index
        %get3A_240 = arith.constant 0 : index
        %get3A_241 = tpu.vector_load %arg7[%get3A, %get3A_240] {strides = array<i32>} : memref<800x16xf32, #tpu.memory_space<vmem>>, vector<1x16xf32>,
        %get3A_242 = vector.shape_cast %get3A_241 : vector<1x16xf32> to vector<16xf32>
        %add3A_243 = arith.addf %scan3A_232, %get3A_242 : vector<16xf32>
        %add3A_244 = arith.constant 1 : i32
        %add3A_245 = arith.addi %add3A_239, %add3A_244 : i32
        %get3A_246 = arith.index_cast %add3A_245 : i32 to index
        %get3A_247 = arith.constant 0 : index
        %get3A_248 = tpu.vector_load %arg7[%get3A_246, %get3A_247] {strides = array<i32>} : memref<800x16xf32, #tpu.memory_space<vmem>>, vector<1x16xf32>,
        %get3A_249 = vector.shape_cast %get3A_248 : vector<1x16xf32> to vector<16xf32>
        %add3A_250 = arith.addf %scan3A_233, %get3A_249 : vector<16xf32>
        %add3A_251 = arith.constant 2 : i32
        %add3A_252 = arith.addi %add3A_239, %add3A_251 : i32
        %get3A_253 = arith.index_cast %add3A_252 : i32 to index
        %get3A_254 = arith.constant 0 : index
        %get3A_255 = tpu.vector_load %arg7[%get3A_253, %get3A_254] {strides = array<i32>} : memref<800x16xf32, #tpu.memory_space<vmem>>, vector<1x16xf32>,
        %get3A_256 = vector.shape_cast %get3A_255 : vector<1x16xf32> to vector<16xf32>
        %add3A_257 = arith.addf %scan3A_234, %get3A_256 : vector<16xf32>
        %add3A_258 = arith.constant 3 : i32
        %add3A_259 = arith.addi %add3A_239, %add3A_258 : i32
        %get3A_260 = arith.index_cast %add3A_259 : i32 to index
        %get3A_261 = arith.constant 0 : index
        %get3A_262 = tpu.vector_load %arg7[%get3A_260, %get3A_261] {strides = array<i32>} : memref<800x16xf32, #tpu.memory_space<vmem>>, vector<1x16xf32>,
        %get3A_263 = vector.shape_cast %get3A_262 : vector<1x16xf32> to vector<16xf32>
        %add3A_264 = arith.addf %scan3A_235, %get3A_263 : vector<16xf32>
        %scan3A_265 = arith.constant 1 : i32
        %scan3A_266 = arith.addi %scan3A_231, %scan3A_265 : i32
        %mul3A_267 = arith.constant 4 : i32
        %mul3A_268 = arith.muli %scan3A_266, %mul3A_267 : i32
        %add3A_269 = arith.constant 400 : i32
        %add3A_270 = arith.addi %add3A_269, %mul3A_268 : i32
        %get3A_271 = arith.index_cast %add3A_270 : i32 to index
        %get3A_272 = arith.constant 0 : index
        %get3A_273 = tpu.vector_load %arg7[%get3A_271, %get3A_272] {strides = array<i32>} : memref<800x16xf32, #tpu.memory_space<vmem>>, vector<1x16xf32>,
        %get3A_274 = vector.shape_cast %get3A_273 : vector<1x16xf32> to vector<16xf32>
        %add3A_275 = arith.addf %add3A_243, %get3A_274 : vector<16xf32>
        %add3A_276 = arith.constant 1 : i32
        %add3A_277 = arith.addi %add3A_270, %add3A_276 : i32
        %get3A_278 = arith.index_cast %add3A_277 : i32 to index
        %get3A_279 = arith.constant 0 : index
        %get3A_280 = tpu.vector_load %arg7[%get3A_278, %get3A_279] {strides = array<i32>} : memref<800x16xf32, #tpu.memory_space<vmem>>, vector<1x16xf32>,
        %get3A_281 = vector.shape_cast %get3A_280 : vector<1x16xf32> to vector<16xf32>
        %add3A_282 = arith.addf %add3A_250, %get3A_281 : vector<16xf32>
        %add3A_283 = arith.constant 2 : i32
        %add3A_284 = arith.addi %add3A_270, %add3A_283 : i32
        %get3A_285 = arith.index_cast %add3A_284 : i32 to index
        %get3A_286 = arith.constant 0 : index
        %get3A_287 = tpu.vector_load %arg7[%get3A_285, %get3A_286] {strides = array<i32>} : memref<800x16xf32, #tpu.memory_space<vmem>>, vector<1x16xf32>,
        %get3A_288 = vector.shape_cast %get3A_287 : vector<1x16xf32> to vector<16xf32>
        %add3A_289 = arith.addf %add3A_257, %get3A_288 : vector<16xf32>
        %add3A_290 = arith.constant 3 : i32
        %add3A_291 = arith.addi %add3A_270, %add3A_290 : i32
        %get3A_292 = arith.index_cast %add3A_291 : i32 to index
        %get3A_293 = arith.constant 0 : index
        %get3A_294 = tpu.vector_load %arg7[%get3A_292, %get3A_293] {strides = array<i32>} : memref<800x16xf32, #tpu.memory_space<vmem>>, vector<1x16xf32>,
        %get3A_295 = vector.shape_cast %get3A_294 : vector<1x16xf32> to vector<16xf32>
        %add3A_296 = arith.addf %add3A_264, %get3A_295 : vector<16xf32>
        %scan3A_297 = arith.constant 2 : i32
        %scan3A_298 = arith.addi %scan3A_231, %scan3A_297 : i32
        %mul3A_299 = arith.constant 4 : i32
        %mul3A_300 = arith.muli %scan3A_298, %mul3A_299 : i32
        %add3A_301 = arith.constant 400 : i32
        %add3A_302 = arith.addi %add3A_301, %mul3A_300 : i32
        %get3A_303 = arith.index_cast %add3A_302 : i32 to index
        %get3A_304 = arith.constant 0 : index
        %get3A_305 = tpu.vector_load %arg7[%get3A_303, %get3A_304] {strides = array<i32>} : memref<800x16xf32, #tpu.memory_space<vmem>>, vector<1x16xf32>,
        %get3A_306 = vector.shape_cast %get3A_305 : vector<1x16xf32> to vector<16xf32>
        %add3A_307 = arith.addf %add3A_275, %get3A_306 : vector<16xf32>
        %add3A_308 = arith.constant 1 : i32
        %add3A_309 = arith.addi %add3A_302, %add3A_308 : i32
        %get3A_310 = arith.index_cast %add3A_309 : i32 to index
        %get3A_311 = arith.constant 0 : index
        %get3A_312 = tpu.vector_load %arg7[%get3A_310, %get3A_311] {strides = array<i32>} : memref<800x16xf32, #tpu.memory_space<vmem>>, vector<1x16xf32>,
        %get3A_313 = vector.shape_cast %get3A_312 : vector<1x16xf32> to vector<16xf32>
        %add3A_314 = arith.addf %add3A_282, %get3A_313 : vector<16xf32>
        %add3A_315 = arith.constant 2 : i32
        %add3A_316 = arith.addi %add3A_302, %add3A_315 : i32
        %get3A_317 = arith.index_cast %add3A_316 : i32 to index
        %get3A_318 = arith.constant 0 : index
        %get3A_319 = tpu.vector_load %arg7[%get3A_317, %get3A_318] {strides = array<i32>} : memref<800x16xf32, #tpu.memory_space<vmem>>, vector<1x16xf32>,
        %get3A_320 = vector.shape_cast %get3A_319 : vector<1x16xf32> to vector<16xf32>
        %add3A_321 = arith.addf %add3A_289, %get3A_320 : vector<16xf32>
        %add3A_322 = arith.constant 3 : i32
        %add3A_323 = arith.addi %add3A_302, %add3A_322 : i32
        %get3A_324 = arith.index_cast %add3A_323 : i32 to index
        %get3A_325 = arith.constant 0 : index
        %get3A_326 = tpu.vector_load %arg7[%get3A_324, %get3A_325] {strides = array<i32>} : memref<800x16xf32, #tpu.memory_space<vmem>>, vector<1x16xf32>,
        %get3A_327 = vector.shape_cast %get3A_326 : vector<1x16xf32> to vector<16xf32>
        %add3A_328 = arith.addf %add3A_296, %get3A_327 : vector<16xf32>
        %scan3A_329 = arith.constant 3 : i32
        %scan3A_330 = arith.addi %scan3A_231, %scan3A_329 : i32
        %mul3A_331 = arith.constant 4 : i32
        %mul3A_332 = arith.muli %scan3A_330, %mul3A_331 : i32
        %add3A_333 = arith.constant 400 : i32
        %add3A_334 = arith.addi %add3A_333, %mul3A_332 : i32
        %get3A_335 = arith.index_cast %add3A_334 : i32 to index
        %get3A_336 = arith.constant 0 : index
        %get3A_337 = tpu.vector_load %arg7[%get3A_335, %get3A_336] {strides = array<i32>} : memref<800x16xf32, #tpu.memory_space<vmem>>, vector<1x16xf32>,
        %get3A_338 = vector.shape_cast %get3A_337 : vector<1x16xf32> to vector<16xf32>
        %add3A_339 = arith.addf %add3A_307, %get3A_338 : vector<16xf32>
        %add3A_340 = arith.constant 1 : i32
        %add3A_341 = arith.addi %add3A_334, %add3A_340 : i32
        %get3A_342 = arith.index_cast %add3A_341 : i32 to index
        %get3A_343 = arith.constant 0 : index
        %get3A_344 = tpu.vector_load %arg7[%get3A_342, %get3A_343] {strides = array<i32>} : memref<800x16xf32, #tpu.memory_space<vmem>>, vector<1x16xf32>,
        %get3A_345 = vector.shape_cast %get3A_344 : vector<1x16xf32> to vector<16xf32>
        %add3A_346 = arith.addf %add3A_314, %get3A_345 : vector<16xf32>
        %add3A_347 = arith.constant 2 : i32
        %add3A_348 = arith.addi %add3A_334, %add3A_347 : i32
        %get3A_349 = arith.index_cast %add3A_348 : i32 to index
        %get3A_350 = arith.constant 0 : index
        %get3A_351 = tpu.vector_load %arg7[%get3A_349, %get3A_350] {strides = array<i32>} : memref<800x16xf32, #tpu.memory_space<vmem>>, vector<1x16xf32>,
        %get3A_352 = vector.shape_cast %get3A_351 : vector<1x16xf32> to vector<16xf32>
        %add3A_353 = arith.addf %add3A_321, %get3A_352 : vector<16xf32>
        %add3A_354 = arith.constant 3 : i32
        %add3A_355 = arith.addi %add3A_334, %add3A_354 : i32
        %get3A_356 = arith.index_cast %add3A_355 : i32 to index
        %get3A_357 = arith.constant 0 : index
        %get3A_358 = tpu.vector_load %arg7[%get3A_356, %get3A_357] {strides = array<i32>} : memref<800x16xf32, #tpu.memory_space<vmem>>, vector<1x16xf32>,
        %get3A_359 = vector.shape_cast %get3A_358 : vector<1x16xf32> to vector<16xf32>
        %add3A_360 = arith.addf %add3A_328, %get3A_359 : vector<16xf32>
        %scan3A_361 = arith.constant 4 : i32
        %scan3A_362 = arith.addi %scan3A_231, %scan3A_361 : i32
        %mul3A_363 = arith.constant 4 : i32
        %mul3A_364 = arith.muli %scan3A_362, %mul3A_363 : i32
        %add3A_365 = arith.constant 400 : i32
        %add3A_366 = arith.addi %add3A_365, %mul3A_364 : i32
        %get3A_367 = arith.index_cast %add3A_366 : i32 to index
        %get3A_368 = arith.constant 0 : index
        %get3A_369 = tpu.vector_load %arg7[%get3A_367, %get3A_368] {strides = array<i32>} : memref<800x16xf32, #tpu.memory_space<vmem>>, vector<1x16xf32>,
        %get3A_370 = vector.shape_cast %get3A_369 : vector<1x16xf32> to vector<16xf32>
        %add3A_371 = arith.addf %add3A_339, %get3A_370 : vector<16xf32>
        %add3A_372 = arith.constant 1 : i32
        %add3A_373 = arith.addi %add3A_366, %add3A_372 : i32
        %get3A_374 = arith.index_cast %add3A_373 : i32 to index
        %get3A_375 = arith.constant 0 : index
        %get3A_376 = tpu.vector_load %arg7[%get3A_374, %get3A_375] {strides = array<i32>} : memref<800x16xf32, #tpu.memory_space<vmem>>, vector<1x16xf32>,
        %get3A_377 = vector.shape_cast %get3A_376 : vector<1x16xf32> to vector<16xf32>
        %add3A_378 = arith.addf %add3A_346, %get3A_377 : vector<16xf32>
        %add3A_379 = arith.constant 2 : i32
        %add3A_380 = arith.addi %add3A_366, %add3A_379 : i32
        %get3A_381 = arith.index_cast %add3A_380 : i32 to index
        %get3A_382 = arith.constant 0 : index
        %get3A_383 = tpu.vector_load %arg7[%get3A_381, %get3A_382] {strides = array<i32>} : memref<800x16xf32, #tpu.memory_space<vmem>>, vector<1x16xf32>,
        %get3A_384 = vector.shape_cast %get3A_383 : vector<1x16xf32> to vector<16xf32>
        %add3A_385 = arith.addf %add3A_353, %get3A_384 : vector<16xf32>
        %add3A_386 = arith.constant 3 : i32
        %add3A_387 = arith.addi %add3A_366, %add3A_386 : i32
        %get3A_388 = arith.index_cast %add3A_387 : i32 to index
        %get3A_389 = arith.constant 0 : index
        %get3A_390 = tpu.vector_load %arg7[%get3A_388, %get3A_389] {strides = array<i32>} : memref<800x16xf32, #tpu.memory_space<vmem>>, vector<1x16xf32>,
        %get3A_391 = vector.shape_cast %get3A_390 : vector<1x16xf32> to vector<16xf32>
        %add3A_392 = arith.addf %add3A_360, %get3A_391 : vector<16xf32>
        scf.yield %add3A_371, %add3A_378, %add3A_385, %add3A_392 : vector<16xf32>, vector<16xf32>, vector<16xf32>, vector<16xf32>
      }
      %scan3A_98 = arith.constant 50 : i32
      %add3A_99 = arith.addf %scan3A_97#0, %scan3A_97#1 : vector<16xf32>
      %add3A_100 = arith.addf %scan3A_97#2, %scan3A_97#3 : vector<16xf32>
      %add3A_101 = arith.addf %add3A_99, %add3A_100 : vector<16xf32>
      %mul3A_102 = arith.constant 4 : i32
      %mul3A_103 = arith.muli %mul3A_34, %mul3A_102 : i32
      %add3A_104 = arith.constant 2 : i32
      %add3A_105 = arith.addi %mul3A_103, %add3A_104 : i32
      %swap3A_106 = arith.index_cast %add3A_105 : i32 to index
      %swap3A_107 = arith.constant 0 : index
      %swap3A_108 = tpu.vector_load %arg9[%swap3A_106, %swap3A_107] {strides = array<i32>} : memref<128x16xf32, #tpu.memory_space<vmem>>, vector<1x16xf32>,
      %swap3A_109 = vector.shape_cast %swap3A_108 : vector<1x16xf32> to vector<16xf32>
      %swap3A_110 = vector.shape_cast %add3A_101 : vector<16xf32> to vector<1x16xf32>
      tpu.vector_store %arg9[%swap3A_106, %swap3A_107], %swap3A_110 {strides = array<i32>} : memref<128x16xf32, #tpu.memory_space<vmem>>, vector<1x16xf32>,
      %broadcast_in_dim3A_111 = arith.constant 0.000000e+00 : f32
      %broadcast_in_dim3A_112 = vector.broadcast %broadcast_in_dim3A_111 : f32 to vector<16xf32>
      %scan3A_113 = arith.constant 0 : i32
      %scan3A_114 = arith.constant 50 : i32
      %scan3A_115 = arith.addi %scan3A_113, %scan3A_114 : i32
      %scan3A_116 = arith.constant 5 : i32
      %scan3A_117:4 = scf.for %scan3A_231 = %scan3A_113 to %scan3A_115 step %scan3A_116 iter_args(%scan3A_232 = %broadcast_in_dim3A_112, %scan3A_233 = %broadcast_in_dim3A_112, %scan3A_234 = %broadcast_in_dim3A_112, %scan3A_235 = %broadcast_in_dim3A_112) -> (vector<16xf32>, vector<16xf32>, vector<16xf32>, vector<16xf32>)  : i32 {
        %mul3A_236 = arith.constant 4 : i32
        %mul3A_237 = arith.muli %scan3A_231, %mul3A_236 : i32
        %add3A_238 = arith.constant 600 : i32
        %add3A_239 = arith.addi %add3A_238, %mul3A_237 : i32
        %get3A = arith.index_cast %add3A_239 : i32 to index
        %get3A_240 = arith.constant 0 : index
        %get3A_241 = tpu.vector_load %arg7[%get3A, %get3A_240] {strides = array<i32>} : memref<800x16xf32, #tpu.memory_space<vmem>>, vector<1x16xf32>,
        %get3A_242 = vector.shape_cast %get3A_241 : vector<1x16xf32> to vector<16xf32>
        %add3A_243 = arith.addf %scan3A_232, %get3A_242 : vector<16xf32>
        %add3A_244 = arith.constant 1 : i32
        %add3A_245 = arith.addi %add3A_239, %add3A_244 : i32
        %get3A_246 = arith.index_cast %add3A_245 : i32 to index
        %get3A_247 = arith.constant 0 : index
        %get3A_248 = tpu.vector_load %arg7[%get3A_246, %get3A_247] {strides = array<i32>} : memref<800x16xf32, #tpu.memory_space<vmem>>, vector<1x16xf32>,
        %get3A_249 = vector.shape_cast %get3A_248 : vector<1x16xf32> to vector<16xf32>
        %add3A_250 = arith.addf %scan3A_233, %get3A_249 : vector<16xf32>
        %add3A_251 = arith.constant 2 : i32
        %add3A_252 = arith.addi %add3A_239, %add3A_251 : i32
        %get3A_253 = arith.index_cast %add3A_252 : i32 to index
        %get3A_254 = arith.constant 0 : index
        %get3A_255 = tpu.vector_load %arg7[%get3A_253, %get3A_254] {strides = array<i32>} : memref<800x16xf32, #tpu.memory_space<vmem>>, vector<1x16xf32>,
        %get3A_256 = vector.shape_cast %get3A_255 : vector<1x16xf32> to vector<16xf32>
        %add3A_257 = arith.addf %scan3A_234, %get3A_256 : vector<16xf32>
        %add3A_258 = arith.constant 3 : i32
        %add3A_259 = arith.addi %add3A_239, %add3A_258 : i32
        %get3A_260 = arith.index_cast %add3A_259 : i32 to index
        %get3A_261 = arith.constant 0 : index
        %get3A_262 = tpu.vector_load %arg7[%get3A_260, %get3A_261] {strides = array<i32>} : memref<800x16xf32, #tpu.memory_space<vmem>>, vector<1x16xf32>,
        %get3A_263 = vector.shape_cast %get3A_262 : vector<1x16xf32> to vector<16xf32>
        %add3A_264 = arith.addf %scan3A_235, %get3A_263 : vector<16xf32>
        %scan3A_265 = arith.constant 1 : i32
        %scan3A_266 = arith.addi %scan3A_231, %scan3A_265 : i32
        %mul3A_267 = arith.constant 4 : i32
        %mul3A_268 = arith.muli %scan3A_266, %mul3A_267 : i32
        %add3A_269 = arith.constant 600 : i32
        %add3A_270 = arith.addi %add3A_269, %mul3A_268 : i32
        %get3A_271 = arith.index_cast %add3A_270 : i32 to index
        %get3A_272 = arith.constant 0 : index
        %get3A_273 = tpu.vector_load %arg7[%get3A_271, %get3A_272] {strides = array<i32>} : memref<800x16xf32, #tpu.memory_space<vmem>>, vector<1x16xf32>,
        %get3A_274 = vector.shape_cast %get3A_273 : vector<1x16xf32> to vector<16xf32>
        %add3A_275 = arith.addf %add3A_243, %get3A_274 : vector<16xf32>
        %add3A_276 = arith.constant 1 : i32
        %add3A_277 = arith.addi %add3A_270, %add3A_276 : i32
        %get3A_278 = arith.index_cast %add3A_277 : i32 to index
        %get3A_279 = arith.constant 0 : index
        %get3A_280 = tpu.vector_load %arg7[%get3A_278, %get3A_279] {strides = array<i32>} : memref<800x16xf32, #tpu.memory_space<vmem>>, vector<1x16xf32>,
        %get3A_281 = vector.shape_cast %get3A_280 : vector<1x16xf32> to vector<16xf32>
        %add3A_282 = arith.addf %add3A_250, %get3A_281 : vector<16xf32>
        %add3A_283 = arith.constant 2 : i32
        %add3A_284 = arith.addi %add3A_270, %add3A_283 : i32
        %get3A_285 = arith.index_cast %add3A_284 : i32 to index
        %get3A_286 = arith.constant 0 : index
        %get3A_287 = tpu.vector_load %arg7[%get3A_285, %get3A_286] {strides = array<i32>} : memref<800x16xf32, #tpu.memory_space<vmem>>, vector<1x16xf32>,
        %get3A_288 = vector.shape_cast %get3A_287 : vector<1x16xf32> to vector<16xf32>
        %add3A_289 = arith.addf %add3A_257, %get3A_288 : vector<16xf32>
        %add3A_290 = arith.constant 3 : i32
        %add3A_291 = arith.addi %add3A_270, %add3A_290 : i32
        %get3A_292 = arith.index_cast %add3A_291 : i32 to index
        %get3A_293 = arith.constant 0 : index
        %get3A_294 = tpu.vector_load %arg7[%get3A_292, %get3A_293] {strides = array<i32>} : memref<800x16xf32, #tpu.memory_space<vmem>>, vector<1x16xf32>,
        %get3A_295 = vector.shape_cast %get3A_294 : vector<1x16xf32> to vector<16xf32>
        %add3A_296 = arith.addf %add3A_264, %get3A_295 : vector<16xf32>
        %scan3A_297 = arith.constant 2 : i32
        %scan3A_298 = arith.addi %scan3A_231, %scan3A_297 : i32
        %mul3A_299 = arith.constant 4 : i32
        %mul3A_300 = arith.muli %scan3A_298, %mul3A_299 : i32
        %add3A_301 = arith.constant 600 : i32
        %add3A_302 = arith.addi %add3A_301, %mul3A_300 : i32
        %get3A_303 = arith.index_cast %add3A_302 : i32 to index
        %get3A_304 = arith.constant 0 : index
        %get3A_305 = tpu.vector_load %arg7[%get3A_303, %get3A_304] {strides = array<i32>} : memref<800x16xf32, #tpu.memory_space<vmem>>, vector<1x16xf32>,
        %get3A_306 = vector.shape_cast %get3A_305 : vector<1x16xf32> to vector<16xf32>
        %add3A_307 = arith.addf %add3A_275, %get3A_306 : vector<16xf32>
        %add3A_308 = arith.constant 1 : i32
        %add3A_309 = arith.addi %add3A_302, %add3A_308 : i32
        %get3A_310 = arith.index_cast %add3A_309 : i32 to index
        %get3A_311 = arith.constant 0 : index
        %get3A_312 = tpu.vector_load %arg7[%get3A_310, %get3A_311] {strides = array<i32>} : memref<800x16xf32, #tpu.memory_space<vmem>>, vector<1x16xf32>,
        %get3A_313 = vector.shape_cast %get3A_312 : vector<1x16xf32> to vector<16xf32>
        %add3A_314 = arith.addf %add3A_282, %get3A_313 : vector<16xf32>
        %add3A_315 = arith.constant 2 : i32
        %add3A_316 = arith.addi %add3A_302, %add3A_315 : i32
        %get3A_317 = arith.index_cast %add3A_316 : i32 to index
        %get3A_318 = arith.constant 0 : index
        %get3A_319 = tpu.vector_load %arg7[%get3A_317, %get3A_318] {strides = array<i32>} : memref<800x16xf32, #tpu.memory_space<vmem>>, vector<1x16xf32>,
        %get3A_320 = vector.shape_cast %get3A_319 : vector<1x16xf32> to vector<16xf32>
        %add3A_321 = arith.addf %add3A_289, %get3A_320 : vector<16xf32>
        %add3A_322 = arith.constant 3 : i32
        %add3A_323 = arith.addi %add3A_302, %add3A_322 : i32
        %get3A_324 = arith.index_cast %add3A_323 : i32 to index
        %get3A_325 = arith.constant 0 : index
        %get3A_326 = tpu.vector_load %arg7[%get3A_324, %get3A_325] {strides = array<i32>} : memref<800x16xf32, #tpu.memory_space<vmem>>, vector<1x16xf32>,
        %get3A_327 = vector.shape_cast %get3A_326 : vector<1x16xf32> to vector<16xf32>
        %add3A_328 = arith.addf %add3A_296, %get3A_327 : vector<16xf32>
        %scan3A_329 = arith.constant 3 : i32
        %scan3A_330 = arith.addi %scan3A_231, %scan3A_329 : i32
        %mul3A_331 = arith.constant 4 : i32
        %mul3A_332 = arith.muli %scan3A_330, %mul3A_331 : i32
        %add3A_333 = arith.constant 600 : i32
        %add3A_334 = arith.addi %add3A_333, %mul3A_332 : i32
        %get3A_335 = arith.index_cast %add3A_334 : i32 to index
        %get3A_336 = arith.constant 0 : index
        %get3A_337 = tpu.vector_load %arg7[%get3A_335, %get3A_336] {strides = array<i32>} : memref<800x16xf32, #tpu.memory_space<vmem>>, vector<1x16xf32>,
        %get3A_338 = vector.shape_cast %get3A_337 : vector<1x16xf32> to vector<16xf32>
        %add3A_339 = arith.addf %add3A_307, %get3A_338 : vector<16xf32>
        %add3A_340 = arith.constant 1 : i32
        %add3A_341 = arith.addi %add3A_334, %add3A_340 : i32
        %get3A_342 = arith.index_cast %add3A_341 : i32 to index
        %get3A_343 = arith.constant 0 : index
        %get3A_344 = tpu.vector_load %arg7[%get3A_342, %get3A_343] {strides = array<i32>} : memref<800x16xf32, #tpu.memory_space<vmem>>, vector<1x16xf32>,
        %get3A_345 = vector.shape_cast %get3A_344 : vector<1x16xf32> to vector<16xf32>
        %add3A_346 = arith.addf %add3A_314, %get3A_345 : vector<16xf32>
        %add3A_347 = arith.constant 2 : i32
        %add3A_348 = arith.addi %add3A_334, %add3A_347 : i32
        %get3A_349 = arith.index_cast %add3A_348 : i32 to index
        %get3A_350 = arith.constant 0 : index
        %get3A_351 = tpu.vector_load %arg7[%get3A_349, %get3A_350] {strides = array<i32>} : memref<800x16xf32, #tpu.memory_space<vmem>>, vector<1x16xf32>,
        %get3A_352 = vector.shape_cast %get3A_351 : vector<1x16xf32> to vector<16xf32>
        %add3A_353 = arith.addf %add3A_321, %get3A_352 : vector<16xf32>
        %add3A_354 = arith.constant 3 : i32
        %add3A_355 = arith.addi %add3A_334, %add3A_354 : i32
        %get3A_356 = arith.index_cast %add3A_355 : i32 to index
        %get3A_357 = arith.constant 0 : index
        %get3A_358 = tpu.vector_load %arg7[%get3A_356, %get3A_357] {strides = array<i32>} : memref<800x16xf32, #tpu.memory_space<vmem>>, vector<1x16xf32>,
        %get3A_359 = vector.shape_cast %get3A_358 : vector<1x16xf32> to vector<16xf32>
        %add3A_360 = arith.addf %add3A_328, %get3A_359 : vector<16xf32>
        %scan3A_361 = arith.constant 4 : i32
        %scan3A_362 = arith.addi %scan3A_231, %scan3A_361 : i32
        %mul3A_363 = arith.constant 4 : i32
        %mul3A_364 = arith.muli %scan3A_362, %mul3A_363 : i32
        %add3A_365 = arith.constant 600 : i32
        %add3A_366 = arith.addi %add3A_365, %mul3A_364 : i32
        %get3A_367 = arith.index_cast %add3A_366 : i32 to index
        %get3A_368 = arith.constant 0 : index
        %get3A_369 = tpu.vector_load %arg7[%get3A_367, %get3A_368] {strides = array<i32>} : memref<800x16xf32, #tpu.memory_space<vmem>>, vector<1x16xf32>,
        %get3A_370 = vector.shape_cast %get3A_369 : vector<1x16xf32> to vector<16xf32>
        %add3A_371 = arith.addf %add3A_339, %get3A_370 : vector<16xf32>
        %add3A_372 = arith.constant 1 : i32
        %add3A_373 = arith.addi %add3A_366, %add3A_372 : i32
        %get3A_374 = arith.index_cast %add3A_373 : i32 to index
        %get3A_375 = arith.constant 0 : index
        %get3A_376 = tpu.vector_load %arg7[%get3A_374, %get3A_375] {strides = array<i32>} : memref<800x16xf32, #tpu.memory_space<vmem>>, vector<1x16xf32>,
        %get3A_377 = vector.shape_cast %get3A_376 : vector<1x16xf32> to vector<16xf32>
        %add3A_378 = arith.addf %add3A_346, %get3A_377 : vector<16xf32>
        %add3A_379 = arith.constant 2 : i32
        %add3A_380 = arith.addi %add3A_366, %add3A_379 : i32
        %get3A_381 = arith.index_cast %add3A_380 : i32 to index
        %get3A_382 = arith.constant 0 : index
        %get3A_383 = tpu.vector_load %arg7[%get3A_381, %get3A_382] {strides = array<i32>} : memref<800x16xf32, #tpu.memory_space<vmem>>, vector<1x16xf32>,
        %get3A_384 = vector.shape_cast %get3A_383 : vector<1x16xf32> to vector<16xf32>
        %add3A_385 = arith.addf %add3A_353, %get3A_384 : vector<16xf32>
        %add3A_386 = arith.constant 3 : i32
        %add3A_387 = arith.addi %add3A_366, %add3A_386 : i32
        %get3A_388 = arith.index_cast %add3A_387 : i32 to index
        %get3A_389 = arith.constant 0 : index
        %get3A_390 = tpu.vector_load %arg7[%get3A_388, %get3A_389] {strides = array<i32>} : memref<800x16xf32, #tpu.memory_space<vmem>>, vector<1x16xf32>,
        %get3A_391 = vector.shape_cast %get3A_390 : vector<1x16xf32> to vector<16xf32>
        %add3A_392 = arith.addf %add3A_360, %get3A_391 : vector<16xf32>
        scf.yield %add3A_371, %add3A_378, %add3A_385, %add3A_392 : vector<16xf32>, vector<16xf32>, vector<16xf32>, vector<16xf32>
      }
      %scan3A_118 = arith.constant 50 : i32
      %add3A_119 = arith.addf %scan3A_117#0, %scan3A_117#1 : vector<16xf32>
      %add3A_120 = arith.addf %scan3A_117#2, %scan3A_117#3 : vector<16xf32>
      %add3A_121 = arith.addf %add3A_119, %add3A_120 : vector<16xf32>
      %mul3A_122 = arith.constant 4 : i32
      %mul3A_123 = arith.muli %mul3A_34, %mul3A_122 : i32
      %add3A_124 = arith.constant 3 : i32
      %add3A_125 = arith.addi %mul3A_123, %add3A_124 : i32
      %swap3A_126 = arith.index_cast %add3A_125 : i32 to index
      %swap3A_127 = arith.constant 0 : index
      %swap3A_128 = tpu.vector_load %arg9[%swap3A_126, %swap3A_127] {strides = array<i32>} : memref<128x16xf32, #tpu.memory_space<vmem>>, vector<1x16xf32>,
      %swap3A_129 = vector.shape_cast %swap3A_128 : vector<1x16xf32> to vector<16xf32>
      %swap3A_130 = vector.shape_cast %add3A_121 : vector<16xf32> to vector<1x16xf32>
      tpu.vector_store %arg9[%swap3A_126, %swap3A_127], %swap3A_130 {strides = array<i32>} : memref<128x16xf32, #tpu.memory_space<vmem>>, vector<1x16xf32>,
      %add3A_131 = arith.constant 2 : i32
      %add3A_132 = arith.addi %mul3A_34, %add3A_131 : i32
      %lt3A_133 = arith.constant 32 : i32
      %lt3A_134 = arith.cmpi slt, %add3A_132, %lt3A_133 : i32
      %convert_element_type3A_135 = arith.extui %lt3A_134 : i1 to i32
      %cond3A_136 = arith.constant 0 : i32
      %cond3A_137 = arith.cmpi ne, %convert_element_type3A_135, %cond3A_136 : i32
      scf.if %cond3A_137 {
        %add3A_231 = arith.constant 2 : i32
        %add3A_232 = arith.addi %mul3A_34, %add3A_231 : i32
        %mul3A_233 = arith.constant 800 : i32
        %mul3A_234 = arith.muli %add3A_232, %mul3A_233 : i32
        %add3A_235 = arith.addi %multiple_of3A, %mul3A_234 : i32
        %multiple_of3A_236 = tpu.assume_multiple %add3A_235, 8 : i32
        %dma_wait3A_237 = tpu.memref_slice %arg2[%multiple_of3A_236] : memref<819200xi32, #tpu.memory_space<hbm>> -> memref<800xi32, #tpu.memory_space<hbm>>
        %dma_wait3A_238 = tpu.memref_slice %arg2[%multiple_of3A_236] : memref<819200xi32, #tpu.memory_space<hbm>> -> memref<800xi32, #tpu.memory_space<hbm>>
        tpu.wait_dma2 semaphore(%arg11 : memref<!tpu.dma_semaphore, #tpu.memory_space<semaphore_mem>>) src(%dma_wait3A_238 : memref<800xi32, #tpu.memory_space<hbm>>) dst(%arg5 : memref<800xi32, #tpu.memory_space<vmem>>)
        %dma_start3A_239 = arith.constant 0 : i32
        %dma_start3A_240 = arith.constant 0 : i32
        %dma_start3A_241 = tpu.memref_slice %arg10[%dma_start3A_239, %dma_start3A_240] : memref<100096x16xf32, #tpu.memory_space<vmem_shared>> -> memref<100096x16xf32, #tpu.memory_space<vmem_shared>>
        tpu.enqueue_indirect_dma source(%dma_start3A_241 : memref<100096x16xf32, #tpu.memory_space<vmem_shared>>) target(%arg7 : memref<800x16xf32, #tpu.memory_space<vmem>>) offsets(%arg5 : memref<800xi32, #tpu.memory_space<vmem>>) semaphore(%arg13 : memref<!tpu.dma_semaphore, #tpu.memory_space<semaphore_mem>>)
      } else {
      }
      %dma_wait3A_138 = arith.constant 0 : i32
      %dma_wait3A_139 = arith.constant 0 : i32
      %dma_wait3A_140 = tpu.memref_slice %arg10[%dma_wait3A_138, %dma_wait3A_139] : memref<100096x16xf32, #tpu.memory_space<vmem_shared>> -> memref<100096x16xf32, #tpu.memory_space<vmem_shared>>
      tpu.wait_indirect_dma semaphore(%arg14 : memref<!tpu.dma_semaphore, #tpu.memory_space<semaphore_mem>>) src(%dma_wait3A_140 : memref<100096x16xf32, #tpu.memory_space<vmem_shared>>) dst(%arg8 : memref<800x16xf32, #tpu.memory_space<vmem>>)
      %add3A_141 = arith.constant 3 : i32
      %add3A_142 = arith.addi %mul3A_34, %add3A_141 : i32
      %lt3A_143 = arith.constant 32 : i32
      %lt3A_144 = arith.cmpi slt, %add3A_142, %lt3A_143 : i32
      %convert_element_type3A_145 = arith.extui %lt3A_144 : i1 to i32
      %cond3A_146 = arith.constant 0 : i32
      %cond3A_147 = arith.cmpi ne, %convert_element_type3A_145, %cond3A_146 : i32
      scf.if %cond3A_147 {
        %add3A_231 = arith.constant 3 : i32
        %add3A_232 = arith.addi %mul3A_34, %add3A_231 : i32
        %mul3A_233 = arith.constant 800 : i32
        %mul3A_234 = arith.muli %add3A_232, %mul3A_233 : i32
        %add3A_235 = arith.addi %multiple_of3A, %mul3A_234 : i32
        %multiple_of3A_236 = tpu.assume_multiple %add3A_235, 8 : i32
        %dma_start3A_237 = tpu.memref_slice %arg2[%multiple_of3A_236] : memref<819200xi32, #tpu.memory_space<hbm>> -> memref<800xi32, #tpu.memory_space<hbm>>
        %dma_start3A_238 = tpu.memref_slice %arg2[%multiple_of3A_236] : memref<819200xi32, #tpu.memory_space<hbm>> -> memref<800xi32, #tpu.memory_space<hbm>>
        tpu.enqueue_dma source(%dma_start3A_238 : memref<800xi32, #tpu.memory_space<hbm>>) target(%arg6 : memref<800xi32, #tpu.memory_space<vmem>>) target_semaphore(%arg12 : memref<!tpu.dma_semaphore, #tpu.memory_space<semaphore_mem>>)
      } else {
      }
      %add3A_148 = arith.constant 1 : i32
      %add3A_149 = arith.addi %mul3A_34, %add3A_148 : i32
      %broadcast_in_dim3A_150 = arith.constant 0.000000e+00 : f32
      %broadcast_in_dim3A_151 = vector.broadcast %broadcast_in_dim3A_150 : f32 to vector<16xf32>
      %scan3A_152 = arith.constant 0 : i32
      %scan3A_153 = arith.constant 50 : i32
      %scan3A_154 = arith.addi %scan3A_152, %scan3A_153 : i32
      %scan3A_155 = arith.constant 5 : i32
      %scan3A_156:4 = scf.for %scan3A_231 = %scan3A_152 to %scan3A_154 step %scan3A_155 iter_args(%scan3A_232 = %broadcast_in_dim3A_151, %scan3A_233 = %broadcast_in_dim3A_151, %scan3A_234 = %broadcast_in_dim3A_151, %scan3A_235 = %broadcast_in_dim3A_151) -> (vector<16xf32>, vector<16xf32>, vector<16xf32>, vector<16xf32>)  : i32 {
        %mul3A_236 = arith.constant 4 : i32
        %mul3A_237 = arith.muli %scan3A_231, %mul3A_236 : i32
        %add3A_238 = arith.constant 0 : i32
        %add3A_239 = arith.addi %add3A_238, %mul3A_237 : i32
        %get3A = arith.index_cast %add3A_239 : i32 to index
        %get3A_240 = arith.constant 0 : index
        %get3A_241 = tpu.vector_load %arg8[%get3A, %get3A_240] {strides = array<i32>} : memref<800x16xf32, #tpu.memory_space<vmem>>, vector<1x16xf32>,
        %get3A_242 = vector.shape_cast %get3A_241 : vector<1x16xf32> to vector<16xf32>
        %add3A_243 = arith.addf %scan3A_232, %get3A_242 : vector<16xf32>
        %add3A_244 = arith.constant 1 : i32
        %add3A_245 = arith.addi %add3A_239, %add3A_244 : i32
        %get3A_246 = arith.index_cast %add3A_245 : i32 to index
        %get3A_247 = arith.constant 0 : index
        %get3A_248 = tpu.vector_load %arg8[%get3A_246, %get3A_247] {strides = array<i32>} : memref<800x16xf32, #tpu.memory_space<vmem>>, vector<1x16xf32>,
        %get3A_249 = vector.shape_cast %get3A_248 : vector<1x16xf32> to vector<16xf32>
        %add3A_250 = arith.addf %scan3A_233, %get3A_249 : vector<16xf32>
        %add3A_251 = arith.constant 2 : i32
        %add3A_252 = arith.addi %add3A_239, %add3A_251 : i32
        %get3A_253 = arith.index_cast %add3A_252 : i32 to index
        %get3A_254 = arith.constant 0 : index
        %get3A_255 = tpu.vector_load %arg8[%get3A_253, %get3A_254] {strides = array<i32>} : memref<800x16xf32, #tpu.memory_space<vmem>>, vector<1x16xf32>,
        %get3A_256 = vector.shape_cast %get3A_255 : vector<1x16xf32> to vector<16xf32>
        %add3A_257 = arith.addf %scan3A_234, %get3A_256 : vector<16xf32>
        %add3A_258 = arith.constant 3 : i32
        %add3A_259 = arith.addi %add3A_239, %add3A_258 : i32
        %get3A_260 = arith.index_cast %add3A_259 : i32 to index
        %get3A_261 = arith.constant 0 : index
        %get3A_262 = tpu.vector_load %arg8[%get3A_260, %get3A_261] {strides = array<i32>} : memref<800x16xf32, #tpu.memory_space<vmem>>, vector<1x16xf32>,
        %get3A_263 = vector.shape_cast %get3A_262 : vector<1x16xf32> to vector<16xf32>
        %add3A_264 = arith.addf %scan3A_235, %get3A_263 : vector<16xf32>
        %scan3A_265 = arith.constant 1 : i32
        %scan3A_266 = arith.addi %scan3A_231, %scan3A_265 : i32
        %mul3A_267 = arith.constant 4 : i32
        %mul3A_268 = arith.muli %scan3A_266, %mul3A_267 : i32
        %add3A_269 = arith.constant 0 : i32
        %add3A_270 = arith.addi %add3A_269, %mul3A_268 : i32
        %get3A_271 = arith.index_cast %add3A_270 : i32 to index
        %get3A_272 = arith.constant 0 : index
        %get3A_273 = tpu.vector_load %arg8[%get3A_271, %get3A_272] {strides = array<i32>} : memref<800x16xf32, #tpu.memory_space<vmem>>, vector<1x16xf32>,
        %get3A_274 = vector.shape_cast %get3A_273 : vector<1x16xf32> to vector<16xf32>
        %add3A_275 = arith.addf %add3A_243, %get3A_274 : vector<16xf32>
        %add3A_276 = arith.constant 1 : i32
        %add3A_277 = arith.addi %add3A_270, %add3A_276 : i32
        %get3A_278 = arith.index_cast %add3A_277 : i32 to index
        %get3A_279 = arith.constant 0 : index
        %get3A_280 = tpu.vector_load %arg8[%get3A_278, %get3A_279] {strides = array<i32>} : memref<800x16xf32, #tpu.memory_space<vmem>>, vector<1x16xf32>,
        %get3A_281 = vector.shape_cast %get3A_280 : vector<1x16xf32> to vector<16xf32>
        %add3A_282 = arith.addf %add3A_250, %get3A_281 : vector<16xf32>
        %add3A_283 = arith.constant 2 : i32
        %add3A_284 = arith.addi %add3A_270, %add3A_283 : i32
        %get3A_285 = arith.index_cast %add3A_284 : i32 to index
        %get3A_286 = arith.constant 0 : index
        %get3A_287 = tpu.vector_load %arg8[%get3A_285, %get3A_286] {strides = array<i32>} : memref<800x16xf32, #tpu.memory_space<vmem>>, vector<1x16xf32>,
        %get3A_288 = vector.shape_cast %get3A_287 : vector<1x16xf32> to vector<16xf32>
        %add3A_289 = arith.addf %add3A_257, %get3A_288 : vector<16xf32>
        %add3A_290 = arith.constant 3 : i32
        %add3A_291 = arith.addi %add3A_270, %add3A_290 : i32
        %get3A_292 = arith.index_cast %add3A_291 : i32 to index
        %get3A_293 = arith.constant 0 : index
        %get3A_294 = tpu.vector_load %arg8[%get3A_292, %get3A_293] {strides = array<i32>} : memref<800x16xf32, #tpu.memory_space<vmem>>, vector<1x16xf32>,
        %get3A_295 = vector.shape_cast %get3A_294 : vector<1x16xf32> to vector<16xf32>
        %add3A_296 = arith.addf %add3A_264, %get3A_295 : vector<16xf32>
        %scan3A_297 = arith.constant 2 : i32
        %scan3A_298 = arith.addi %scan3A_231, %scan3A_297 : i32
        %mul3A_299 = arith.constant 4 : i32
        %mul3A_300 = arith.muli %scan3A_298, %mul3A_299 : i32
        %add3A_301 = arith.constant 0 : i32
        %add3A_302 = arith.addi %add3A_301, %mul3A_300 : i32
        %get3A_303 = arith.index_cast %add3A_302 : i32 to index
        %get3A_304 = arith.constant 0 : index
        %get3A_305 = tpu.vector_load %arg8[%get3A_303, %get3A_304] {strides = array<i32>} : memref<800x16xf32, #tpu.memory_space<vmem>>, vector<1x16xf32>,
        %get3A_306 = vector.shape_cast %get3A_305 : vector<1x16xf32> to vector<16xf32>
        %add3A_307 = arith.addf %add3A_275, %get3A_306 : vector<16xf32>
        %add3A_308 = arith.constant 1 : i32
        %add3A_309 = arith.addi %add3A_302, %add3A_308 : i32
        %get3A_310 = arith.index_cast %add3A_309 : i32 to index
        %get3A_311 = arith.constant 0 : index
        %get3A_312 = tpu.vector_load %arg8[%get3A_310, %get3A_311] {strides = array<i32>} : memref<800x16xf32, #tpu.memory_space<vmem>>, vector<1x16xf32>,
        %get3A_313 = vector.shape_cast %get3A_312 : vector<1x16xf32> to vector<16xf32>
        %add3A_314 = arith.addf %add3A_282, %get3A_313 : vector<16xf32>
        %add3A_315 = arith.constant 2 : i32
        %add3A_316 = arith.addi %add3A_302, %add3A_315 : i32
        %get3A_317 = arith.index_cast %add3A_316 : i32 to index
        %get3A_318 = arith.constant 0 : index
        %get3A_319 = tpu.vector_load %arg8[%get3A_317, %get3A_318] {strides = array<i32>} : memref<800x16xf32, #tpu.memory_space<vmem>>, vector<1x16xf32>,
        %get3A_320 = vector.shape_cast %get3A_319 : vector<1x16xf32> to vector<16xf32>
        %add3A_321 = arith.addf %add3A_289, %get3A_320 : vector<16xf32>
        %add3A_322 = arith.constant 3 : i32
        %add3A_323 = arith.addi %add3A_302, %add3A_322 : i32
        %get3A_324 = arith.index_cast %add3A_323 : i32 to index
        %get3A_325 = arith.constant 0 : index
        %get3A_326 = tpu.vector_load %arg8[%get3A_324, %get3A_325] {strides = array<i32>} : memref<800x16xf32, #tpu.memory_space<vmem>>, vector<1x16xf32>,
        %get3A_327 = vector.shape_cast %get3A_326 : vector<1x16xf32> to vector<16xf32>
        %add3A_328 = arith.addf %add3A_296, %get3A_327 : vector<16xf32>
        %scan3A_329 = arith.constant 3 : i32
        %scan3A_330 = arith.addi %scan3A_231, %scan3A_329 : i32
        %mul3A_331 = arith.constant 4 : i32
        %mul3A_332 = arith.muli %scan3A_330, %mul3A_331 : i32
        %add3A_333 = arith.constant 0 : i32
        %add3A_334 = arith.addi %add3A_333, %mul3A_332 : i32
        %get3A_335 = arith.index_cast %add3A_334 : i32 to index
        %get3A_336 = arith.constant 0 : index
        %get3A_337 = tpu.vector_load %arg8[%get3A_335, %get3A_336] {strides = array<i32>} : memref<800x16xf32, #tpu.memory_space<vmem>>, vector<1x16xf32>,
        %get3A_338 = vector.shape_cast %get3A_337 : vector<1x16xf32> to vector<16xf32>
        %add3A_339 = arith.addf %add3A_307, %get3A_338 : vector<16xf32>
        %add3A_340 = arith.constant 1 : i32
        %add3A_341 = arith.addi %add3A_334, %add3A_340 : i32
        %get3A_342 = arith.index_cast %add3A_341 : i32 to index
        %get3A_343 = arith.constant 0 : index
        %get3A_344 = tpu.vector_load %arg8[%get3A_342, %get3A_343] {strides = array<i32>} : memref<800x16xf32, #tpu.memory_space<vmem>>, vector<1x16xf32>,
        %get3A_345 = vector.shape_cast %get3A_344 : vector<1x16xf32> to vector<16xf32>
        %add3A_346 = arith.addf %add3A_314, %get3A_345 : vector<16xf32>
        %add3A_347 = arith.constant 2 : i32
        %add3A_348 = arith.addi %add3A_334, %add3A_347 : i32
        %get3A_349 = arith.index_cast %add3A_348 : i32 to index
        %get3A_350 = arith.constant 0 : index
        %get3A_351 = tpu.vector_load %arg8[%get3A_349, %get3A_350] {strides = array<i32>} : memref<800x16xf32, #tpu.memory_space<vmem>>, vector<1x16xf32>,
        %get3A_352 = vector.shape_cast %get3A_351 : vector<1x16xf32> to vector<16xf32>
        %add3A_353 = arith.addf %add3A_321, %get3A_352 : vector<16xf32>
        %add3A_354 = arith.constant 3 : i32
        %add3A_355 = arith.addi %add3A_334, %add3A_354 : i32
        %get3A_356 = arith.index_cast %add3A_355 : i32 to index
        %get3A_357 = arith.constant 0 : index
        %get3A_358 = tpu.vector_load %arg8[%get3A_356, %get3A_357] {strides = array<i32>} : memref<800x16xf32, #tpu.memory_space<vmem>>, vector<1x16xf32>,
        %get3A_359 = vector.shape_cast %get3A_358 : vector<1x16xf32> to vector<16xf32>
        %add3A_360 = arith.addf %add3A_328, %get3A_359 : vector<16xf32>
        %scan3A_361 = arith.constant 4 : i32
        %scan3A_362 = arith.addi %scan3A_231, %scan3A_361 : i32
        %mul3A_363 = arith.constant 4 : i32
        %mul3A_364 = arith.muli %scan3A_362, %mul3A_363 : i32
        %add3A_365 = arith.constant 0 : i32
        %add3A_366 = arith.addi %add3A_365, %mul3A_364 : i32
        %get3A_367 = arith.index_cast %add3A_366 : i32 to index
        %get3A_368 = arith.constant 0 : index
        %get3A_369 = tpu.vector_load %arg8[%get3A_367, %get3A_368] {strides = array<i32>} : memref<800x16xf32, #tpu.memory_space<vmem>>, vector<1x16xf32>,
        %get3A_370 = vector.shape_cast %get3A_369 : vector<1x16xf32> to vector<16xf32>
        %add3A_371 = arith.addf %add3A_339, %get3A_370 : vector<16xf32>
        %add3A_372 = arith.constant 1 : i32
        %add3A_373 = arith.addi %add3A_366, %add3A_372 : i32
        %get3A_374 = arith.index_cast %add3A_373 : i32 to index
        %get3A_375 = arith.constant 0 : index
        %get3A_376 = tpu.vector_load %arg8[%get3A_374, %get3A_375] {strides = array<i32>} : memref<800x16xf32, #tpu.memory_space<vmem>>, vector<1x16xf32>,
        %get3A_377 = vector.shape_cast %get3A_376 : vector<1x16xf32> to vector<16xf32>
        %add3A_378 = arith.addf %add3A_346, %get3A_377 : vector<16xf32>
        %add3A_379 = arith.constant 2 : i32
        %add3A_380 = arith.addi %add3A_366, %add3A_379 : i32
        %get3A_381 = arith.index_cast %add3A_380 : i32 to index
        %get3A_382 = arith.constant 0 : index
        %get3A_383 = tpu.vector_load %arg8[%get3A_381, %get3A_382] {strides = array<i32>} : memref<800x16xf32, #tpu.memory_space<vmem>>, vector<1x16xf32>,
        %get3A_384 = vector.shape_cast %get3A_383 : vector<1x16xf32> to vector<16xf32>
        %add3A_385 = arith.addf %add3A_353, %get3A_384 : vector<16xf32>
        %add3A_386 = arith.constant 3 : i32
        %add3A_387 = arith.addi %add3A_366, %add3A_386 : i32
        %get3A_388 = arith.index_cast %add3A_387 : i32 to index
        %get3A_389 = arith.constant 0 : index
        %get3A_390 = tpu.vector_load %arg8[%get3A_388, %get3A_389] {strides = array<i32>} : memref<800x16xf32, #tpu.memory_space<vmem>>, vector<1x16xf32>,
        %get3A_391 = vector.shape_cast %get3A_390 : vector<1x16xf32> to vector<16xf32>
        %add3A_392 = arith.addf %add3A_360, %get3A_391 : vector<16xf32>
        scf.yield %add3A_371, %add3A_378, %add3A_385, %add3A_392 : vector<16xf32>, vector<16xf32>, vector<16xf32>, vector<16xf32>
      }
      %scan3A_157 = arith.constant 50 : i32
      %add3A_158 = arith.addf %scan3A_156#0, %scan3A_156#1 : vector<16xf32>
      %add3A_159 = arith.addf %scan3A_156#2, %scan3A_156#3 : vector<16xf32>
      %add3A_160 = arith.addf %add3A_158, %add3A_159 : vector<16xf32>
      %mul3A_161 = arith.constant 4 : i32
      %mul3A_162 = arith.muli %add3A_149, %mul3A_161 : i32
      %add3A_163 = arith.constant 0 : i32
      %add3A_164 = arith.addi %mul3A_162, %add3A_163 : i32
      %swap3A_165 = arith.index_cast %add3A_164 : i32 to index
      %swap3A_166 = arith.constant 0 : index
      %swap3A_167 = tpu.vector_load %arg9[%swap3A_165, %swap3A_166] {strides = array<i32>} : memref<128x16xf32, #tpu.memory_space<vmem>>, vector<1x16xf32>,
      %swap3A_168 = vector.shape_cast %swap3A_167 : vector<1x16xf32> to vector<16xf32>
      %swap3A_169 = vector.shape_cast %add3A_160 : vector<16xf32> to vector<1x16xf32>
      tpu.vector_store %arg9[%swap3A_165, %swap3A_166], %swap3A_169 {strides = array<i32>} : memref<128x16xf32, #tpu.memory_space<vmem>>, vector<1x16xf32>,
      %broadcast_in_dim3A_170 = arith.constant 0.000000e+00 : f32
      %broadcast_in_dim3A_171 = vector.broadcast %broadcast_in_dim3A_170 : f32 to vector<16xf32>
      %scan3A_172 = arith.constant 0 : i32
      %scan3A_173 = arith.constant 50 : i32
      %scan3A_174 = arith.addi %scan3A_172, %scan3A_173 : i32
      %scan3A_175 = arith.constant 5 : i32
      %scan3A_176:4 = scf.for %scan3A_231 = %scan3A_172 to %scan3A_174 step %scan3A_175 iter_args(%scan3A_232 = %broadcast_in_dim3A_171, %scan3A_233 = %broadcast_in_dim3A_171, %scan3A_234 = %broadcast_in_dim3A_171, %scan3A_235 = %broadcast_in_dim3A_171) -> (vector<16xf32>, vector<16xf32>, vector<16xf32>, vector<16xf32>)  : i32 {
        %mul3A_236 = arith.constant 4 : i32
        %mul3A_237 = arith.muli %scan3A_231, %mul3A_236 : i32
        %add3A_238 = arith.constant 200 : i32
        %add3A_239 = arith.addi %add3A_238, %mul3A_237 : i32
        %get3A = arith.index_cast %add3A_239 : i32 to index
        %get3A_240 = arith.constant 0 : index
        %get3A_241 = tpu.vector_load %arg8[%get3A, %get3A_240] {strides = array<i32>} : memref<800x16xf32, #tpu.memory_space<vmem>>, vector<1x16xf32>,
        %get3A_242 = vector.shape_cast %get3A_241 : vector<1x16xf32> to vector<16xf32>
        %add3A_243 = arith.addf %scan3A_232, %get3A_242 : vector<16xf32>
        %add3A_244 = arith.constant 1 : i32
        %add3A_245 = arith.addi %add3A_239, %add3A_244 : i32
        %get3A_246 = arith.index_cast %add3A_245 : i32 to index
        %get3A_247 = arith.constant 0 : index
        %get3A_248 = tpu.vector_load %arg8[%get3A_246, %get3A_247] {strides = array<i32>} : memref<800x16xf32, #tpu.memory_space<vmem>>, vector<1x16xf32>,
        %get3A_249 = vector.shape_cast %get3A_248 : vector<1x16xf32> to vector<16xf32>
        %add3A_250 = arith.addf %scan3A_233, %get3A_249 : vector<16xf32>
        %add3A_251 = arith.constant 2 : i32
        %add3A_252 = arith.addi %add3A_239, %add3A_251 : i32
        %get3A_253 = arith.index_cast %add3A_252 : i32 to index
        %get3A_254 = arith.constant 0 : index
        %get3A_255 = tpu.vector_load %arg8[%get3A_253, %get3A_254] {strides = array<i32>} : memref<800x16xf32, #tpu.memory_space<vmem>>, vector<1x16xf32>,
        %get3A_256 = vector.shape_cast %get3A_255 : vector<1x16xf32> to vector<16xf32>
        %add3A_257 = arith.addf %scan3A_234, %get3A_256 : vector<16xf32>
        %add3A_258 = arith.constant 3 : i32
        %add3A_259 = arith.addi %add3A_239, %add3A_258 : i32
        %get3A_260 = arith.index_cast %add3A_259 : i32 to index
        %get3A_261 = arith.constant 0 : index
        %get3A_262 = tpu.vector_load %arg8[%get3A_260, %get3A_261] {strides = array<i32>} : memref<800x16xf32, #tpu.memory_space<vmem>>, vector<1x16xf32>,
        %get3A_263 = vector.shape_cast %get3A_262 : vector<1x16xf32> to vector<16xf32>
        %add3A_264 = arith.addf %scan3A_235, %get3A_263 : vector<16xf32>
        %scan3A_265 = arith.constant 1 : i32
        %scan3A_266 = arith.addi %scan3A_231, %scan3A_265 : i32
        %mul3A_267 = arith.constant 4 : i32
        %mul3A_268 = arith.muli %scan3A_266, %mul3A_267 : i32
        %add3A_269 = arith.constant 200 : i32
        %add3A_270 = arith.addi %add3A_269, %mul3A_268 : i32
        %get3A_271 = arith.index_cast %add3A_270 : i32 to index
        %get3A_272 = arith.constant 0 : index
        %get3A_273 = tpu.vector_load %arg8[%get3A_271, %get3A_272] {strides = array<i32>} : memref<800x16xf32, #tpu.memory_space<vmem>>, vector<1x16xf32>,
        %get3A_274 = vector.shape_cast %get3A_273 : vector<1x16xf32> to vector<16xf32>
        %add3A_275 = arith.addf %add3A_243, %get3A_274 : vector<16xf32>
        %add3A_276 = arith.constant 1 : i32
        %add3A_277 = arith.addi %add3A_270, %add3A_276 : i32
        %get3A_278 = arith.index_cast %add3A_277 : i32 to index
        %get3A_279 = arith.constant 0 : index
        %get3A_280 = tpu.vector_load %arg8[%get3A_278, %get3A_279] {strides = array<i32>} : memref<800x16xf32, #tpu.memory_space<vmem>>, vector<1x16xf32>,
        %get3A_281 = vector.shape_cast %get3A_280 : vector<1x16xf32> to vector<16xf32>
        %add3A_282 = arith.addf %add3A_250, %get3A_281 : vector<16xf32>
        %add3A_283 = arith.constant 2 : i32
        %add3A_284 = arith.addi %add3A_270, %add3A_283 : i32
        %get3A_285 = arith.index_cast %add3A_284 : i32 to index
        %get3A_286 = arith.constant 0 : index
        %get3A_287 = tpu.vector_load %arg8[%get3A_285, %get3A_286] {strides = array<i32>} : memref<800x16xf32, #tpu.memory_space<vmem>>, vector<1x16xf32>,
        %get3A_288 = vector.shape_cast %get3A_287 : vector<1x16xf32> to vector<16xf32>
        %add3A_289 = arith.addf %add3A_257, %get3A_288 : vector<16xf32>
        %add3A_290 = arith.constant 3 : i32
        %add3A_291 = arith.addi %add3A_270, %add3A_290 : i32
        %get3A_292 = arith.index_cast %add3A_291 : i32 to index
        %get3A_293 = arith.constant 0 : index
        %get3A_294 = tpu.vector_load %arg8[%get3A_292, %get3A_293] {strides = array<i32>} : memref<800x16xf32, #tpu.memory_space<vmem>>, vector<1x16xf32>,
        %get3A_295 = vector.shape_cast %get3A_294 : vector<1x16xf32> to vector<16xf32>
        %add3A_296 = arith.addf %add3A_264, %get3A_295 : vector<16xf32>
        %scan3A_297 = arith.constant 2 : i32
        %scan3A_298 = arith.addi %scan3A_231, %scan3A_297 : i32
        %mul3A_299 = arith.constant 4 : i32
        %mul3A_300 = arith.muli %scan3A_298, %mul3A_299 : i32
        %add3A_301 = arith.constant 200 : i32
        %add3A_302 = arith.addi %add3A_301, %mul3A_300 : i32
        %get3A_303 = arith.index_cast %add3A_302 : i32 to index
        %get3A_304 = arith.constant 0 : index
        %get3A_305 = tpu.vector_load %arg8[%get3A_303, %get3A_304] {strides = array<i32>} : memref<800x16xf32, #tpu.memory_space<vmem>>, vector<1x16xf32>,
        %get3A_306 = vector.shape_cast %get3A_305 : vector<1x16xf32> to vector<16xf32>
        %add3A_307 = arith.addf %add3A_275, %get3A_306 : vector<16xf32>
        %add3A_308 = arith.constant 1 : i32
        %add3A_309 = arith.addi %add3A_302, %add3A_308 : i32
        %get3A_310 = arith.index_cast %add3A_309 : i32 to index
        %get3A_311 = arith.constant 0 : index
        %get3A_312 = tpu.vector_load %arg8[%get3A_310, %get3A_311] {strides = array<i32>} : memref<800x16xf32, #tpu.memory_space<vmem>>, vector<1x16xf32>,
        %get3A_313 = vector.shape_cast %get3A_312 : vector<1x16xf32> to vector<16xf32>
        %add3A_314 = arith.addf %add3A_282, %get3A_313 : vector<16xf32>
        %add3A_315 = arith.constant 2 : i32
        %add3A_316 = arith.addi %add3A_302, %add3A_315 : i32
        %get3A_317 = arith.index_cast %add3A_316 : i32 to index
        %get3A_318 = arith.constant 0 : index
        %get3A_319 = tpu.vector_load %arg8[%get3A_317, %get3A_318] {strides = array<i32>} : memref<800x16xf32, #tpu.memory_space<vmem>>, vector<1x16xf32>,
        %get3A_320 = vector.shape_cast %get3A_319 : vector<1x16xf32> to vector<16xf32>
        %add3A_321 = arith.addf %add3A_289, %get3A_320 : vector<16xf32>
        %add3A_322 = arith.constant 3 : i32
        %add3A_323 = arith.addi %add3A_302, %add3A_322 : i32
        %get3A_324 = arith.index_cast %add3A_323 : i32 to index
        %get3A_325 = arith.constant 0 : index
        %get3A_326 = tpu.vector_load %arg8[%get3A_324, %get3A_325] {strides = array<i32>} : memref<800x16xf32, #tpu.memory_space<vmem>>, vector<1x16xf32>,
        %get3A_327 = vector.shape_cast %get3A_326 : vector<1x16xf32> to vector<16xf32>
        %add3A_328 = arith.addf %add3A_296, %get3A_327 : vector<16xf32>
        %scan3A_329 = arith.constant 3 : i32
        %scan3A_330 = arith.addi %scan3A_231, %scan3A_329 : i32
        %mul3A_331 = arith.constant 4 : i32
        %mul3A_332 = arith.muli %scan3A_330, %mul3A_331 : i32
        %add3A_333 = arith.constant 200 : i32
        %add3A_334 = arith.addi %add3A_333, %mul3A_332 : i32
        %get3A_335 = arith.index_cast %add3A_334 : i32 to index
        %get3A_336 = arith.constant 0 : index
        %get3A_337 = tpu.vector_load %arg8[%get3A_335, %get3A_336] {strides = array<i32>} : memref<800x16xf32, #tpu.memory_space<vmem>>, vector<1x16xf32>,
        %get3A_338 = vector.shape_cast %get3A_337 : vector<1x16xf32> to vector<16xf32>
        %add3A_339 = arith.addf %add3A_307, %get3A_338 : vector<16xf32>
        %add3A_340 = arith.constant 1 : i32
        %add3A_341 = arith.addi %add3A_334, %add3A_340 : i32
        %get3A_342 = arith.index_cast %add3A_341 : i32 to index
        %get3A_343 = arith.constant 0 : index
        %get3A_344 = tpu.vector_load %arg8[%get3A_342, %get3A_343] {strides = array<i32>} : memref<800x16xf32, #tpu.memory_space<vmem>>, vector<1x16xf32>,
        %get3A_345 = vector.shape_cast %get3A_344 : vector<1x16xf32> to vector<16xf32>
        %add3A_346 = arith.addf %add3A_314, %get3A_345 : vector<16xf32>
        %add3A_347 = arith.constant 2 : i32
        %add3A_348 = arith.addi %add3A_334, %add3A_347 : i32
        %get3A_349 = arith.index_cast %add3A_348 : i32 to index
        %get3A_350 = arith.constant 0 : index
        %get3A_351 = tpu.vector_load %arg8[%get3A_349, %get3A_350] {strides = array<i32>} : memref<800x16xf32, #tpu.memory_space<vmem>>, vector<1x16xf32>,
        %get3A_352 = vector.shape_cast %get3A_351 : vector<1x16xf32> to vector<16xf32>
        %add3A_353 = arith.addf %add3A_321, %get3A_352 : vector<16xf32>
        %add3A_354 = arith.constant 3 : i32
        %add3A_355 = arith.addi %add3A_334, %add3A_354 : i32
        %get3A_356 = arith.index_cast %add3A_355 : i32 to index
        %get3A_357 = arith.constant 0 : index
        %get3A_358 = tpu.vector_load %arg8[%get3A_356, %get3A_357] {strides = array<i32>} : memref<800x16xf32, #tpu.memory_space<vmem>>, vector<1x16xf32>,
        %get3A_359 = vector.shape_cast %get3A_358 : vector<1x16xf32> to vector<16xf32>
        %add3A_360 = arith.addf %add3A_328, %get3A_359 : vector<16xf32>
        %scan3A_361 = arith.constant 4 : i32
        %scan3A_362 = arith.addi %scan3A_231, %scan3A_361 : i32
        %mul3A_363 = arith.constant 4 : i32
        %mul3A_364 = arith.muli %scan3A_362, %mul3A_363 : i32
        %add3A_365 = arith.constant 200 : i32
        %add3A_366 = arith.addi %add3A_365, %mul3A_364 : i32
        %get3A_367 = arith.index_cast %add3A_366 : i32 to index
        %get3A_368 = arith.constant 0 : index
        %get3A_369 = tpu.vector_load %arg8[%get3A_367, %get3A_368] {strides = array<i32>} : memref<800x16xf32, #tpu.memory_space<vmem>>, vector<1x16xf32>,
        %get3A_370 = vector.shape_cast %get3A_369 : vector<1x16xf32> to vector<16xf32>
        %add3A_371 = arith.addf %add3A_339, %get3A_370 : vector<16xf32>
        %add3A_372 = arith.constant 1 : i32
        %add3A_373 = arith.addi %add3A_366, %add3A_372 : i32
        %get3A_374 = arith.index_cast %add3A_373 : i32 to index
        %get3A_375 = arith.constant 0 : index
        %get3A_376 = tpu.vector_load %arg8[%get3A_374, %get3A_375] {strides = array<i32>} : memref<800x16xf32, #tpu.memory_space<vmem>>, vector<1x16xf32>,
        %get3A_377 = vector.shape_cast %get3A_376 : vector<1x16xf32> to vector<16xf32>
        %add3A_378 = arith.addf %add3A_346, %get3A_377 : vector<16xf32>
        %add3A_379 = arith.constant 2 : i32
        %add3A_380 = arith.addi %add3A_366, %add3A_379 : i32
        %get3A_381 = arith.index_cast %add3A_380 : i32 to index
        %get3A_382 = arith.constant 0 : index
        %get3A_383 = tpu.vector_load %arg8[%get3A_381, %get3A_382] {strides = array<i32>} : memref<800x16xf32, #tpu.memory_space<vmem>>, vector<1x16xf32>,
        %get3A_384 = vector.shape_cast %get3A_383 : vector<1x16xf32> to vector<16xf32>
        %add3A_385 = arith.addf %add3A_353, %get3A_384 : vector<16xf32>
        %add3A_386 = arith.constant 3 : i32
        %add3A_387 = arith.addi %add3A_366, %add3A_386 : i32
        %get3A_388 = arith.index_cast %add3A_387 : i32 to index
        %get3A_389 = arith.constant 0 : index
        %get3A_390 = tpu.vector_load %arg8[%get3A_388, %get3A_389] {strides = array<i32>} : memref<800x16xf32, #tpu.memory_space<vmem>>, vector<1x16xf32>,
        %get3A_391 = vector.shape_cast %get3A_390 : vector<1x16xf32> to vector<16xf32>
        %add3A_392 = arith.addf %add3A_360, %get3A_391 : vector<16xf32>
        scf.yield %add3A_371, %add3A_378, %add3A_385, %add3A_392 : vector<16xf32>, vector<16xf32>, vector<16xf32>, vector<16xf32>
      }
      %scan3A_177 = arith.constant 50 : i32
      %add3A_178 = arith.addf %scan3A_176#0, %scan3A_176#1 : vector<16xf32>
      %add3A_179 = arith.addf %scan3A_176#2, %scan3A_176#3 : vector<16xf32>
      %add3A_180 = arith.addf %add3A_178, %add3A_179 : vector<16xf32>
      %mul3A_181 = arith.constant 4 : i32
      %mul3A_182 = arith.muli %add3A_149, %mul3A_181 : i32
      %add3A_183 = arith.constant 1 : i32
      %add3A_184 = arith.addi %mul3A_182, %add3A_183 : i32
      %swap3A_185 = arith.index_cast %add3A_184 : i32 to index
      %swap3A_186 = arith.constant 0 : index
      %swap3A_187 = tpu.vector_load %arg9[%swap3A_185, %swap3A_186] {strides = array<i32>} : memref<128x16xf32, #tpu.memory_space<vmem>>, vector<1x16xf32>,
      %swap3A_188 = vector.shape_cast %swap3A_187 : vector<1x16xf32> to vector<16xf32>
      %swap3A_189 = vector.shape_cast %add3A_180 : vector<16xf32> to vector<1x16xf32>
      tpu.vector_store %arg9[%swap3A_185, %swap3A_186], %swap3A_189 {strides = array<i32>} : memref<128x16xf32, #tpu.memory_space<vmem>>, vector<1x16xf32>,
      %broadcast_in_dim3A_190 = arith.constant 0.000000e+00 : f32
      %broadcast_in_dim3A_191 = vector.broadcast %broadcast_in_dim3A_190 : f32 to vector<16xf32>
      %scan3A_192 = arith.constant 0 : i32
      %scan3A_193 = arith.constant 50 : i32
      %scan3A_194 = arith.addi %scan3A_192, %scan3A_193 : i32
      %scan3A_195 = arith.constant 5 : i32
      %scan3A_196:4 = scf.for %scan3A_231 = %scan3A_192 to %scan3A_194 step %scan3A_195 iter_args(%scan3A_232 = %broadcast_in_dim3A_191, %scan3A_233 = %broadcast_in_dim3A_191, %scan3A_234 = %broadcast_in_dim3A_191, %scan3A_235 = %broadcast_in_dim3A_191) -> (vector<16xf32>, vector<16xf32>, vector<16xf32>, vector<16xf32>)  : i32 {
        %mul3A_236 = arith.constant 4 : i32
        %mul3A_237 = arith.muli %scan3A_231, %mul3A_236 : i32
        %add3A_238 = arith.constant 400 : i32
        %add3A_239 = arith.addi %add3A_238, %mul3A_237 : i32
        %get3A = arith.index_cast %add3A_239 : i32 to index
        %get3A_240 = arith.constant 0 : index
        %get3A_241 = tpu.vector_load %arg8[%get3A, %get3A_240] {strides = array<i32>} : memref<800x16xf32, #tpu.memory_space<vmem>>, vector<1x16xf32>,
        %get3A_242 = vector.shape_cast %get3A_241 : vector<1x16xf32> to vector<16xf32>
        %add3A_243 = arith.addf %scan3A_232, %get3A_242 : vector<16xf32>
        %add3A_244 = arith.constant 1 : i32
        %add3A_245 = arith.addi %add3A_239, %add3A_244 : i32
        %get3A_246 = arith.index_cast %add3A_245 : i32 to index
        %get3A_247 = arith.constant 0 : index
        %get3A_248 = tpu.vector_load %arg8[%get3A_246, %get3A_247] {strides = array<i32>} : memref<800x16xf32, #tpu.memory_space<vmem>>, vector<1x16xf32>,
        %get3A_249 = vector.shape_cast %get3A_248 : vector<1x16xf32> to vector<16xf32>
        %add3A_250 = arith.addf %scan3A_233, %get3A_249 : vector<16xf32>
        %add3A_251 = arith.constant 2 : i32
        %add3A_252 = arith.addi %add3A_239, %add3A_251 : i32
        %get3A_253 = arith.index_cast %add3A_252 : i32 to index
        %get3A_254 = arith.constant 0 : index
        %get3A_255 = tpu.vector_load %arg8[%get3A_253, %get3A_254] {strides = array<i32>} : memref<800x16xf32, #tpu.memory_space<vmem>>, vector<1x16xf32>,
        %get3A_256 = vector.shape_cast %get3A_255 : vector<1x16xf32> to vector<16xf32>
        %add3A_257 = arith.addf %scan3A_234, %get3A_256 : vector<16xf32>
        %add3A_258 = arith.constant 3 : i32
        %add3A_259 = arith.addi %add3A_239, %add3A_258 : i32
        %get3A_260 = arith.index_cast %add3A_259 : i32 to index
        %get3A_261 = arith.constant 0 : index
        %get3A_262 = tpu.vector_load %arg8[%get3A_260, %get3A_261] {strides = array<i32>} : memref<800x16xf32, #tpu.memory_space<vmem>>, vector<1x16xf32>,
        %get3A_263 = vector.shape_cast %get3A_262 : vector<1x16xf32> to vector<16xf32>
        %add3A_264 = arith.addf %scan3A_235, %get3A_263 : vector<16xf32>
        %scan3A_265 = arith.constant 1 : i32
        %scan3A_266 = arith.addi %scan3A_231, %scan3A_265 : i32
        %mul3A_267 = arith.constant 4 : i32
        %mul3A_268 = arith.muli %scan3A_266, %mul3A_267 : i32
        %add3A_269 = arith.constant 400 : i32
        %add3A_270 = arith.addi %add3A_269, %mul3A_268 : i32
        %get3A_271 = arith.index_cast %add3A_270 : i32 to index
        %get3A_272 = arith.constant 0 : index
        %get3A_273 = tpu.vector_load %arg8[%get3A_271, %get3A_272] {strides = array<i32>} : memref<800x16xf32, #tpu.memory_space<vmem>>, vector<1x16xf32>,
        %get3A_274 = vector.shape_cast %get3A_273 : vector<1x16xf32> to vector<16xf32>
        %add3A_275 = arith.addf %add3A_243, %get3A_274 : vector<16xf32>
        %add3A_276 = arith.constant 1 : i32
        %add3A_277 = arith.addi %add3A_270, %add3A_276 : i32
        %get3A_278 = arith.index_cast %add3A_277 : i32 to index
        %get3A_279 = arith.constant 0 : index
        %get3A_280 = tpu.vector_load %arg8[%get3A_278, %get3A_279] {strides = array<i32>} : memref<800x16xf32, #tpu.memory_space<vmem>>, vector<1x16xf32>,
        %get3A_281 = vector.shape_cast %get3A_280 : vector<1x16xf32> to vector<16xf32>
        %add3A_282 = arith.addf %add3A_250, %get3A_281 : vector<16xf32>
        %add3A_283 = arith.constant 2 : i32
        %add3A_284 = arith.addi %add3A_270, %add3A_283 : i32
        %get3A_285 = arith.index_cast %add3A_284 : i32 to index
        %get3A_286 = arith.constant 0 : index
        %get3A_287 = tpu.vector_load %arg8[%get3A_285, %get3A_286] {strides = array<i32>} : memref<800x16xf32, #tpu.memory_space<vmem>>, vector<1x16xf32>,
        %get3A_288 = vector.shape_cast %get3A_287 : vector<1x16xf32> to vector<16xf32>
        %add3A_289 = arith.addf %add3A_257, %get3A_288 : vector<16xf32>
        %add3A_290 = arith.constant 3 : i32
        %add3A_291 = arith.addi %add3A_270, %add3A_290 : i32
        %get3A_292 = arith.index_cast %add3A_291 : i32 to index
        %get3A_293 = arith.constant 0 : index
        %get3A_294 = tpu.vector_load %arg8[%get3A_292, %get3A_293] {strides = array<i32>} : memref<800x16xf32, #tpu.memory_space<vmem>>, vector<1x16xf32>,
        %get3A_295 = vector.shape_cast %get3A_294 : vector<1x16xf32> to vector<16xf32>
        %add3A_296 = arith.addf %add3A_264, %get3A_295 : vector<16xf32>
        %scan3A_297 = arith.constant 2 : i32
        %scan3A_298 = arith.addi %scan3A_231, %scan3A_297 : i32
        %mul3A_299 = arith.constant 4 : i32
        %mul3A_300 = arith.muli %scan3A_298, %mul3A_299 : i32
        %add3A_301 = arith.constant 400 : i32
        %add3A_302 = arith.addi %add3A_301, %mul3A_300 : i32
        %get3A_303 = arith.index_cast %add3A_302 : i32 to index
        %get3A_304 = arith.constant 0 : index
        %get3A_305 = tpu.vector_load %arg8[%get3A_303, %get3A_304] {strides = array<i32>} : memref<800x16xf32, #tpu.memory_space<vmem>>, vector<1x16xf32>,
        %get3A_306 = vector.shape_cast %get3A_305 : vector<1x16xf32> to vector<16xf32>
        %add3A_307 = arith.addf %add3A_275, %get3A_306 : vector<16xf32>
        %add3A_308 = arith.constant 1 : i32
        %add3A_309 = arith.addi %add3A_302, %add3A_308 : i32
        %get3A_310 = arith.index_cast %add3A_309 : i32 to index
        %get3A_311 = arith.constant 0 : index
        %get3A_312 = tpu.vector_load %arg8[%get3A_310, %get3A_311] {strides = array<i32>} : memref<800x16xf32, #tpu.memory_space<vmem>>, vector<1x16xf32>,
        %get3A_313 = vector.shape_cast %get3A_312 : vector<1x16xf32> to vector<16xf32>
        %add3A_314 = arith.addf %add3A_282, %get3A_313 : vector<16xf32>
        %add3A_315 = arith.constant 2 : i32
        %add3A_316 = arith.addi %add3A_302, %add3A_315 : i32
        %get3A_317 = arith.index_cast %add3A_316 : i32 to index
        %get3A_318 = arith.constant 0 : index
        %get3A_319 = tpu.vector_load %arg8[%get3A_317, %get3A_318] {strides = array<i32>} : memref<800x16xf32, #tpu.memory_space<vmem>>, vector<1x16xf32>,
        %get3A_320 = vector.shape_cast %get3A_319 : vector<1x16xf32> to vector<16xf32>
        %add3A_321 = arith.addf %add3A_289, %get3A_320 : vector<16xf32>
        %add3A_322 = arith.constant 3 : i32
        %add3A_323 = arith.addi %add3A_302, %add3A_322 : i32
        %get3A_324 = arith.index_cast %add3A_323 : i32 to index
        %get3A_325 = arith.constant 0 : index
        %get3A_326 = tpu.vector_load %arg8[%get3A_324, %get3A_325] {strides = array<i32>} : memref<800x16xf32, #tpu.memory_space<vmem>>, vector<1x16xf32>,
        %get3A_327 = vector.shape_cast %get3A_326 : vector<1x16xf32> to vector<16xf32>
        %add3A_328 = arith.addf %add3A_296, %get3A_327 : vector<16xf32>
        %scan3A_329 = arith.constant 3 : i32
        %scan3A_330 = arith.addi %scan3A_231, %scan3A_329 : i32
        %mul3A_331 = arith.constant 4 : i32
        %mul3A_332 = arith.muli %scan3A_330, %mul3A_331 : i32
        %add3A_333 = arith.constant 400 : i32
        %add3A_334 = arith.addi %add3A_333, %mul3A_332 : i32
        %get3A_335 = arith.index_cast %add3A_334 : i32 to index
        %get3A_336 = arith.constant 0 : index
        %get3A_337 = tpu.vector_load %arg8[%get3A_335, %get3A_336] {strides = array<i32>} : memref<800x16xf32, #tpu.memory_space<vmem>>, vector<1x16xf32>,
        %get3A_338 = vector.shape_cast %get3A_337 : vector<1x16xf32> to vector<16xf32>
        %add3A_339 = arith.addf %add3A_307, %get3A_338 : vector<16xf32>
        %add3A_340 = arith.constant 1 : i32
        %add3A_341 = arith.addi %add3A_334, %add3A_340 : i32
        %get3A_342 = arith.index_cast %add3A_341 : i32 to index
        %get3A_343 = arith.constant 0 : index
        %get3A_344 = tpu.vector_load %arg8[%get3A_342, %get3A_343] {strides = array<i32>} : memref<800x16xf32, #tpu.memory_space<vmem>>, vector<1x16xf32>,
        %get3A_345 = vector.shape_cast %get3A_344 : vector<1x16xf32> to vector<16xf32>
        %add3A_346 = arith.addf %add3A_314, %get3A_345 : vector<16xf32>
        %add3A_347 = arith.constant 2 : i32
        %add3A_348 = arith.addi %add3A_334, %add3A_347 : i32
        %get3A_349 = arith.index_cast %add3A_348 : i32 to index
        %get3A_350 = arith.constant 0 : index
        %get3A_351 = tpu.vector_load %arg8[%get3A_349, %get3A_350] {strides = array<i32>} : memref<800x16xf32, #tpu.memory_space<vmem>>, vector<1x16xf32>,
        %get3A_352 = vector.shape_cast %get3A_351 : vector<1x16xf32> to vector<16xf32>
        %add3A_353 = arith.addf %add3A_321, %get3A_352 : vector<16xf32>
        %add3A_354 = arith.constant 3 : i32
        %add3A_355 = arith.addi %add3A_334, %add3A_354 : i32
        %get3A_356 = arith.index_cast %add3A_355 : i32 to index
        %get3A_357 = arith.constant 0 : index
        %get3A_358 = tpu.vector_load %arg8[%get3A_356, %get3A_357] {strides = array<i32>} : memref<800x16xf32, #tpu.memory_space<vmem>>, vector<1x16xf32>,
        %get3A_359 = vector.shape_cast %get3A_358 : vector<1x16xf32> to vector<16xf32>
        %add3A_360 = arith.addf %add3A_328, %get3A_359 : vector<16xf32>
        %scan3A_361 = arith.constant 4 : i32
        %scan3A_362 = arith.addi %scan3A_231, %scan3A_361 : i32
        %mul3A_363 = arith.constant 4 : i32
        %mul3A_364 = arith.muli %scan3A_362, %mul3A_363 : i32
        %add3A_365 = arith.constant 400 : i32
        %add3A_366 = arith.addi %add3A_365, %mul3A_364 : i32
        %get3A_367 = arith.index_cast %add3A_366 : i32 to index
        %get3A_368 = arith.constant 0 : index
        %get3A_369 = tpu.vector_load %arg8[%get3A_367, %get3A_368] {strides = array<i32>} : memref<800x16xf32, #tpu.memory_space<vmem>>, vector<1x16xf32>,
        %get3A_370 = vector.shape_cast %get3A_369 : vector<1x16xf32> to vector<16xf32>
        %add3A_371 = arith.addf %add3A_339, %get3A_370 : vector<16xf32>
        %add3A_372 = arith.constant 1 : i32
        %add3A_373 = arith.addi %add3A_366, %add3A_372 : i32
        %get3A_374 = arith.index_cast %add3A_373 : i32 to index
        %get3A_375 = arith.constant 0 : index
        %get3A_376 = tpu.vector_load %arg8[%get3A_374, %get3A_375] {strides = array<i32>} : memref<800x16xf32, #tpu.memory_space<vmem>>, vector<1x16xf32>,
        %get3A_377 = vector.shape_cast %get3A_376 : vector<1x16xf32> to vector<16xf32>
        %add3A_378 = arith.addf %add3A_346, %get3A_377 : vector<16xf32>
        %add3A_379 = arith.constant 2 : i32
        %add3A_380 = arith.addi %add3A_366, %add3A_379 : i32
        %get3A_381 = arith.index_cast %add3A_380 : i32 to index
        %get3A_382 = arith.constant 0 : index
        %get3A_383 = tpu.vector_load %arg8[%get3A_381, %get3A_382] {strides = array<i32>} : memref<800x16xf32, #tpu.memory_space<vmem>>, vector<1x16xf32>,
        %get3A_384 = vector.shape_cast %get3A_383 : vector<1x16xf32> to vector<16xf32>
        %add3A_385 = arith.addf %add3A_353, %get3A_384 : vector<16xf32>
        %add3A_386 = arith.constant 3 : i32
        %add3A_387 = arith.addi %add3A_366, %add3A_386 : i32
        %get3A_388 = arith.index_cast %add3A_387 : i32 to index
        %get3A_389 = arith.constant 0 : index
        %get3A_390 = tpu.vector_load %arg8[%get3A_388, %get3A_389] {strides = array<i32>} : memref<800x16xf32, #tpu.memory_space<vmem>>, vector<1x16xf32>,
        %get3A_391 = vector.shape_cast %get3A_390 : vector<1x16xf32> to vector<16xf32>
        %add3A_392 = arith.addf %add3A_360, %get3A_391 : vector<16xf32>
        scf.yield %add3A_371, %add3A_378, %add3A_385, %add3A_392 : vector<16xf32>, vector<16xf32>, vector<16xf32>, vector<16xf32>
      }
      %scan3A_197 = arith.constant 50 : i32
      %add3A_198 = arith.addf %scan3A_196#0, %scan3A_196#1 : vector<16xf32>
      %add3A_199 = arith.addf %scan3A_196#2, %scan3A_196#3 : vector<16xf32>
      %add3A_200 = arith.addf %add3A_198, %add3A_199 : vector<16xf32>
      %mul3A_201 = arith.constant 4 : i32
      %mul3A_202 = arith.muli %add3A_149, %mul3A_201 : i32
      %add3A_203 = arith.constant 2 : i32
      %add3A_204 = arith.addi %mul3A_202, %add3A_203 : i32
      %swap3A_205 = arith.index_cast %add3A_204 : i32 to index
      %swap3A_206 = arith.constant 0 : index
      %swap3A_207 = tpu.vector_load %arg9[%swap3A_205, %swap3A_206] {strides = array<i32>} : memref<128x16xf32, #tpu.memory_space<vmem>>, vector<1x16xf32>,
      %swap3A_208 = vector.shape_cast %swap3A_207 : vector<1x16xf32> to vector<16xf32>
      %swap3A_209 = vector.shape_cast %add3A_200 : vector<16xf32> to vector<1x16xf32>
      tpu.vector_store %arg9[%swap3A_205, %swap3A_206], %swap3A_209 {strides = array<i32>} : memref<128x16xf32, #tpu.memory_space<vmem>>, vector<1x16xf32>,
      %broadcast_in_dim3A_210 = arith.constant 0.000000e+00 : f32
      %broadcast_in_dim3A_211 = vector.broadcast %broadcast_in_dim3A_210 : f32 to vector<16xf32>
      %scan3A_212 = arith.constant 0 : i32
      %scan3A_213 = arith.constant 50 : i32
      %scan3A_214 = arith.addi %scan3A_212, %scan3A_213 : i32
      %scan3A_215 = arith.constant 5 : i32
      %scan3A_216:4 = scf.for %scan3A_231 = %scan3A_212 to %scan3A_214 step %scan3A_215 iter_args(%scan3A_232 = %broadcast_in_dim3A_211, %scan3A_233 = %broadcast_in_dim3A_211, %scan3A_234 = %broadcast_in_dim3A_211, %scan3A_235 = %broadcast_in_dim3A_211) -> (vector<16xf32>, vector<16xf32>, vector<16xf32>, vector<16xf32>)  : i32 {
        %mul3A_236 = arith.constant 4 : i32
        %mul3A_237 = arith.muli %scan3A_231, %mul3A_236 : i32
        %add3A_238 = arith.constant 600 : i32
        %add3A_239 = arith.addi %add3A_238, %mul3A_237 : i32
        %get3A = arith.index_cast %add3A_239 : i32 to index
        %get3A_240 = arith.constant 0 : index
        %get3A_241 = tpu.vector_load %arg8[%get3A, %get3A_240] {strides = array<i32>} : memref<800x16xf32, #tpu.memory_space<vmem>>, vector<1x16xf32>,
        %get3A_242 = vector.shape_cast %get3A_241 : vector<1x16xf32> to vector<16xf32>
        %add3A_243 = arith.addf %scan3A_232, %get3A_242 : vector<16xf32>
        %add3A_244 = arith.constant 1 : i32
        %add3A_245 = arith.addi %add3A_239, %add3A_244 : i32
        %get3A_246 = arith.index_cast %add3A_245 : i32 to index
        %get3A_247 = arith.constant 0 : index
        %get3A_248 = tpu.vector_load %arg8[%get3A_246, %get3A_247] {strides = array<i32>} : memref<800x16xf32, #tpu.memory_space<vmem>>, vector<1x16xf32>,
        %get3A_249 = vector.shape_cast %get3A_248 : vector<1x16xf32> to vector<16xf32>
        %add3A_250 = arith.addf %scan3A_233, %get3A_249 : vector<16xf32>
        %add3A_251 = arith.constant 2 : i32
        %add3A_252 = arith.addi %add3A_239, %add3A_251 : i32
        %get3A_253 = arith.index_cast %add3A_252 : i32 to index
        %get3A_254 = arith.constant 0 : index
        %get3A_255 = tpu.vector_load %arg8[%get3A_253, %get3A_254] {strides = array<i32>} : memref<800x16xf32, #tpu.memory_space<vmem>>, vector<1x16xf32>,
        %get3A_256 = vector.shape_cast %get3A_255 : vector<1x16xf32> to vector<16xf32>
        %add3A_257 = arith.addf %scan3A_234, %get3A_256 : vector<16xf32>
        %add3A_258 = arith.constant 3 : i32
        %add3A_259 = arith.addi %add3A_239, %add3A_258 : i32
        %get3A_260 = arith.index_cast %add3A_259 : i32 to index
        %get3A_261 = arith.constant 0 : index
        %get3A_262 = tpu.vector_load %arg8[%get3A_260, %get3A_261] {strides = array<i32>} : memref<800x16xf32, #tpu.memory_space<vmem>>, vector<1x16xf32>,
        %get3A_263 = vector.shape_cast %get3A_262 : vector<1x16xf32> to vector<16xf32>
        %add3A_264 = arith.addf %scan3A_235, %get3A_263 : vector<16xf32>
        %scan3A_265 = arith.constant 1 : i32
        %scan3A_266 = arith.addi %scan3A_231, %scan3A_265 : i32
        %mul3A_267 = arith.constant 4 : i32
        %mul3A_268 = arith.muli %scan3A_266, %mul3A_267 : i32
        %add3A_269 = arith.constant 600 : i32
        %add3A_270 = arith.addi %add3A_269, %mul3A_268 : i32
        %get3A_271 = arith.index_cast %add3A_270 : i32 to index
        %get3A_272 = arith.constant 0 : index
        %get3A_273 = tpu.vector_load %arg8[%get3A_271, %get3A_272] {strides = array<i32>} : memref<800x16xf32, #tpu.memory_space<vmem>>, vector<1x16xf32>,
        %get3A_274 = vector.shape_cast %get3A_273 : vector<1x16xf32> to vector<16xf32>
        %add3A_275 = arith.addf %add3A_243, %get3A_274 : vector<16xf32>
        %add3A_276 = arith.constant 1 : i32
        %add3A_277 = arith.addi %add3A_270, %add3A_276 : i32
        %get3A_278 = arith.index_cast %add3A_277 : i32 to index
        %get3A_279 = arith.constant 0 : index
        %get3A_280 = tpu.vector_load %arg8[%get3A_278, %get3A_279] {strides = array<i32>} : memref<800x16xf32, #tpu.memory_space<vmem>>, vector<1x16xf32>,
        %get3A_281 = vector.shape_cast %get3A_280 : vector<1x16xf32> to vector<16xf32>
        %add3A_282 = arith.addf %add3A_250, %get3A_281 : vector<16xf32>
        %add3A_283 = arith.constant 2 : i32
        %add3A_284 = arith.addi %add3A_270, %add3A_283 : i32
        %get3A_285 = arith.index_cast %add3A_284 : i32 to index
        %get3A_286 = arith.constant 0 : index
        %get3A_287 = tpu.vector_load %arg8[%get3A_285, %get3A_286] {strides = array<i32>} : memref<800x16xf32, #tpu.memory_space<vmem>>, vector<1x16xf32>,
        %get3A_288 = vector.shape_cast %get3A_287 : vector<1x16xf32> to vector<16xf32>
        %add3A_289 = arith.addf %add3A_257, %get3A_288 : vector<16xf32>
        %add3A_290 = arith.constant 3 : i32
        %add3A_291 = arith.addi %add3A_270, %add3A_290 : i32
        %get3A_292 = arith.index_cast %add3A_291 : i32 to index
        %get3A_293 = arith.constant 0 : index
        %get3A_294 = tpu.vector_load %arg8[%get3A_292, %get3A_293] {strides = array<i32>} : memref<800x16xf32, #tpu.memory_space<vmem>>, vector<1x16xf32>,
        %get3A_295 = vector.shape_cast %get3A_294 : vector<1x16xf32> to vector<16xf32>
        %add3A_296 = arith.addf %add3A_264, %get3A_295 : vector<16xf32>
        %scan3A_297 = arith.constant 2 : i32
        %scan3A_298 = arith.addi %scan3A_231, %scan3A_297 : i32
        %mul3A_299 = arith.constant 4 : i32
        %mul3A_300 = arith.muli %scan3A_298, %mul3A_299 : i32
        %add3A_301 = arith.constant 600 : i32
        %add3A_302 = arith.addi %add3A_301, %mul3A_300 : i32
        %get3A_303 = arith.index_cast %add3A_302 : i32 to index
        %get3A_304 = arith.constant 0 : index
        %get3A_305 = tpu.vector_load %arg8[%get3A_303, %get3A_304] {strides = array<i32>} : memref<800x16xf32, #tpu.memory_space<vmem>>, vector<1x16xf32>,
        %get3A_306 = vector.shape_cast %get3A_305 : vector<1x16xf32> to vector<16xf32>
        %add3A_307 = arith.addf %add3A_275, %get3A_306 : vector<16xf32>
        %add3A_308 = arith.constant 1 : i32
        %add3A_309 = arith.addi %add3A_302, %add3A_308 : i32
        %get3A_310 = arith.index_cast %add3A_309 : i32 to index
        %get3A_311 = arith.constant 0 : index
        %get3A_312 = tpu.vector_load %arg8[%get3A_310, %get3A_311] {strides = array<i32>} : memref<800x16xf32, #tpu.memory_space<vmem>>, vector<1x16xf32>,
        %get3A_313 = vector.shape_cast %get3A_312 : vector<1x16xf32> to vector<16xf32>
        %add3A_314 = arith.addf %add3A_282, %get3A_313 : vector<16xf32>
        %add3A_315 = arith.constant 2 : i32
        %add3A_316 = arith.addi %add3A_302, %add3A_315 : i32
        %get3A_317 = arith.index_cast %add3A_316 : i32 to index
        %get3A_318 = arith.constant 0 : index
        %get3A_319 = tpu.vector_load %arg8[%get3A_317, %get3A_318] {strides = array<i32>} : memref<800x16xf32, #tpu.memory_space<vmem>>, vector<1x16xf32>,
        %get3A_320 = vector.shape_cast %get3A_319 : vector<1x16xf32> to vector<16xf32>
        %add3A_321 = arith.addf %add3A_289, %get3A_320 : vector<16xf32>
        %add3A_322 = arith.constant 3 : i32
        %add3A_323 = arith.addi %add3A_302, %add3A_322 : i32
        %get3A_324 = arith.index_cast %add3A_323 : i32 to index
        %get3A_325 = arith.constant 0 : index
        %get3A_326 = tpu.vector_load %arg8[%get3A_324, %get3A_325] {strides = array<i32>} : memref<800x16xf32, #tpu.memory_space<vmem>>, vector<1x16xf32>,
        %get3A_327 = vector.shape_cast %get3A_326 : vector<1x16xf32> to vector<16xf32>
        %add3A_328 = arith.addf %add3A_296, %get3A_327 : vector<16xf32>
        %scan3A_329 = arith.constant 3 : i32
        %scan3A_330 = arith.addi %scan3A_231, %scan3A_329 : i32
        %mul3A_331 = arith.constant 4 : i32
        %mul3A_332 = arith.muli %scan3A_330, %mul3A_331 : i32
        %add3A_333 = arith.constant 600 : i32
        %add3A_334 = arith.addi %add3A_333, %mul3A_332 : i32
        %get3A_335 = arith.index_cast %add3A_334 : i32 to index
        %get3A_336 = arith.constant 0 : index
        %get3A_337 = tpu.vector_load %arg8[%get3A_335, %get3A_336] {strides = array<i32>} : memref<800x16xf32, #tpu.memory_space<vmem>>, vector<1x16xf32>,
        %get3A_338 = vector.shape_cast %get3A_337 : vector<1x16xf32> to vector<16xf32>
        %add3A_339 = arith.addf %add3A_307, %get3A_338 : vector<16xf32>
        %add3A_340 = arith.constant 1 : i32
        %add3A_341 = arith.addi %add3A_334, %add3A_340 : i32
        %get3A_342 = arith.index_cast %add3A_341 : i32 to index
        %get3A_343 = arith.constant 0 : index
        %get3A_344 = tpu.vector_load %arg8[%get3A_342, %get3A_343] {strides = array<i32>} : memref<800x16xf32, #tpu.memory_space<vmem>>, vector<1x16xf32>,
        %get3A_345 = vector.shape_cast %get3A_344 : vector<1x16xf32> to vector<16xf32>
        %add3A_346 = arith.addf %add3A_314, %get3A_345 : vector<16xf32>
        %add3A_347 = arith.constant 2 : i32
        %add3A_348 = arith.addi %add3A_334, %add3A_347 : i32
        %get3A_349 = arith.index_cast %add3A_348 : i32 to index
        %get3A_350 = arith.constant 0 : index
        %get3A_351 = tpu.vector_load %arg8[%get3A_349, %get3A_350] {strides = array<i32>} : memref<800x16xf32, #tpu.memory_space<vmem>>, vector<1x16xf32>,
        %get3A_352 = vector.shape_cast %get3A_351 : vector<1x16xf32> to vector<16xf32>
        %add3A_353 = arith.addf %add3A_321, %get3A_352 : vector<16xf32>
        %add3A_354 = arith.constant 3 : i32
        %add3A_355 = arith.addi %add3A_334, %add3A_354 : i32
        %get3A_356 = arith.index_cast %add3A_355 : i32 to index
        %get3A_357 = arith.constant 0 : index
        %get3A_358 = tpu.vector_load %arg8[%get3A_356, %get3A_357] {strides = array<i32>} : memref<800x16xf32, #tpu.memory_space<vmem>>, vector<1x16xf32>,
        %get3A_359 = vector.shape_cast %get3A_358 : vector<1x16xf32> to vector<16xf32>
        %add3A_360 = arith.addf %add3A_328, %get3A_359 : vector<16xf32>
        %scan3A_361 = arith.constant 4 : i32
        %scan3A_362 = arith.addi %scan3A_231, %scan3A_361 : i32
        %mul3A_363 = arith.constant 4 : i32
        %mul3A_364 = arith.muli %scan3A_362, %mul3A_363 : i32
        %add3A_365 = arith.constant 600 : i32
        %add3A_366 = arith.addi %add3A_365, %mul3A_364 : i32
        %get3A_367 = arith.index_cast %add3A_366 : i32 to index
        %get3A_368 = arith.constant 0 : index
        %get3A_369 = tpu.vector_load %arg8[%get3A_367, %get3A_368] {strides = array<i32>} : memref<800x16xf32, #tpu.memory_space<vmem>>, vector<1x16xf32>,
        %get3A_370 = vector.shape_cast %get3A_369 : vector<1x16xf32> to vector<16xf32>
        %add3A_371 = arith.addf %add3A_339, %get3A_370 : vector<16xf32>
        %add3A_372 = arith.constant 1 : i32
        %add3A_373 = arith.addi %add3A_366, %add3A_372 : i32
        %get3A_374 = arith.index_cast %add3A_373 : i32 to index
        %get3A_375 = arith.constant 0 : index
        %get3A_376 = tpu.vector_load %arg8[%get3A_374, %get3A_375] {strides = array<i32>} : memref<800x16xf32, #tpu.memory_space<vmem>>, vector<1x16xf32>,
        %get3A_377 = vector.shape_cast %get3A_376 : vector<1x16xf32> to vector<16xf32>
        %add3A_378 = arith.addf %add3A_346, %get3A_377 : vector<16xf32>
        %add3A_379 = arith.constant 2 : i32
        %add3A_380 = arith.addi %add3A_366, %add3A_379 : i32
        %get3A_381 = arith.index_cast %add3A_380 : i32 to index
        %get3A_382 = arith.constant 0 : index
        %get3A_383 = tpu.vector_load %arg8[%get3A_381, %get3A_382] {strides = array<i32>} : memref<800x16xf32, #tpu.memory_space<vmem>>, vector<1x16xf32>,
        %get3A_384 = vector.shape_cast %get3A_383 : vector<1x16xf32> to vector<16xf32>
        %add3A_385 = arith.addf %add3A_353, %get3A_384 : vector<16xf32>
        %add3A_386 = arith.constant 3 : i32
        %add3A_387 = arith.addi %add3A_366, %add3A_386 : i32
        %get3A_388 = arith.index_cast %add3A_387 : i32 to index
        %get3A_389 = arith.constant 0 : index
        %get3A_390 = tpu.vector_load %arg8[%get3A_388, %get3A_389] {strides = array<i32>} : memref<800x16xf32, #tpu.memory_space<vmem>>, vector<1x16xf32>,
        %get3A_391 = vector.shape_cast %get3A_390 : vector<1x16xf32> to vector<16xf32>
        %add3A_392 = arith.addf %add3A_360, %get3A_391 : vector<16xf32>
        scf.yield %add3A_371, %add3A_378, %add3A_385, %add3A_392 : vector<16xf32>, vector<16xf32>, vector<16xf32>, vector<16xf32>
      }
      %scan3A_217 = arith.constant 50 : i32
      %add3A_218 = arith.addf %scan3A_216#0, %scan3A_216#1 : vector<16xf32>
      %add3A_219 = arith.addf %scan3A_216#2, %scan3A_216#3 : vector<16xf32>
      %add3A_220 = arith.addf %add3A_218, %add3A_219 : vector<16xf32>
      %mul3A_221 = arith.constant 4 : i32
      %mul3A_222 = arith.muli %add3A_149, %mul3A_221 : i32
      %add3A_223 = arith.constant 3 : i32
      %add3A_224 = arith.addi %mul3A_222, %add3A_223 : i32
      %swap3A_225 = arith.index_cast %add3A_224 : i32 to index
      %swap3A_226 = arith.constant 0 : index
      %swap3A_227 = tpu.vector_load %arg9[%swap3A_225, %swap3A_226] {strides = array<i32>} : memref<128x16xf32, #tpu.memory_space<vmem>>, vector<1x16xf32>,
      %swap3A_228 = vector.shape_cast %swap3A_227 : vector<1x16xf32> to vector<16xf32>
      %swap3A_229 = vector.shape_cast %add3A_220 : vector<16xf32> to vector<1x16xf32>
      tpu.vector_store %arg9[%swap3A_225, %swap3A_226], %swap3A_229 {strides = array<i32>} : memref<128x16xf32, #tpu.memory_space<vmem>>, vector<1x16xf32>,
      %scan3A_230 = arith.constant 0 : i32
      scf.yield %scan3A_230 : i32
    }
    %scan3A_27 = arith.constant 16 : i32
    %mul3A_28 = arith.constant 128 : i32
    %mul3A_29 = arith.muli %add3A, %mul3A_28 : i32
    %multiple_of3A_30 = tpu.assume_multiple %mul3A_29, 8 : i32
    "tpu.region"() ({
      %run_scoped3A = tpu.sem_alloc : memref<!tpu.dma_semaphore, #tpu.memory_space<semaphore_mem>>
      %dma_start3A_31 = arith.constant 0 : i32
      %dma_start3A_32 = tpu.memref_slice %arg4[%multiple_of3A_30, %dma_start3A_31] : memref<4096x16xf32, #tpu.memory_space<hbm>> -> memref<128x16xf32, #tpu.memory_space<hbm>>
      %dma_start3A_33 = arith.constant 0 : i32
      %dma_start3A_34 = tpu.memref_slice %arg4[%multiple_of3A_30, %dma_start3A_33] : memref<4096x16xf32, #tpu.memory_space<hbm>> -> memref<128x16xf32, #tpu.memory_space<hbm>>
      tpu.enqueue_dma source(%arg9 : memref<128x16xf32, #tpu.memory_space<vmem>>) target(%dma_start3A_34 : memref<128x16xf32, #tpu.memory_space<hbm>>) target_semaphore(%run_scoped3A : memref<!tpu.dma_semaphore, #tpu.memory_space<semaphore_mem>>)
      %dma_wait3A_35 = arith.constant 0 : i32
      %dma_wait3A_36 = tpu.memref_slice %arg4[%multiple_of3A_30, %dma_wait3A_35] : memref<4096x16xf32, #tpu.memory_space<hbm>> -> memref<128x16xf32, #tpu.memory_space<hbm>>
      %dma_wait3A_37 = arith.constant 0 : i32
      %dma_wait3A_38 = tpu.memref_slice %arg4[%multiple_of3A_30, %dma_wait3A_37] : memref<4096x16xf32, #tpu.memory_space<hbm>> -> memref<128x16xf32, #tpu.memory_space<hbm>>
      tpu.wait_dma2 semaphore(%run_scoped3A : memref<!tpu.dma_semaphore, #tpu.memory_space<semaphore_mem>>) src(%arg9 : memref<128x16xf32, #tpu.memory_space<vmem>>) dst(%dma_wait3A_38 : memref<128x16xf32, #tpu.memory_space<hbm>>)
      tpu.yield
    }) : () -> ()
    return
  }
}

module attributes {stable_mosaic.version = 14 : i64} {
  func.func @_tc_body(%arg0: memref<4096x16xf32, #tpu.memory_space<vmem>>, %arg1: memref<2x4096xi32, #tpu.memory_space<vmem>>, %arg2: memref<4x16xf32, #tpu.memory_space<vmem>>, %arg3: memref<4x1xf32, #tpu.memory_space<vmem>>, %arg4: memref<4x16xf32, #tpu.memory_space<vmem>>, %arg5: memref<4x1xf32, #tpu.memory_space<vmem>>, %arg6: memref<1x1xf32, #tpu.memory_space<vmem>>, %arg7: memref<1x1xf32, #tpu.memory_space<vmem>>, %arg8: memref<1x4096xi32, #tpu.memory_space<vmem>>, %arg9: memref<1x4096xi32, #tpu.memory_space<vmem>>) attributes {dimension_semantics = [], scalar_prefetch = 0 : i64, scratch_operands = 0 : i64, tpu.core_type = #tpu.core_type<tc>} {
    %get3A = arith.constant 0 : index
    %get3A_0 = arith.constant 0 : index
    %get3A_1 = vector.load %arg0[%get3A, %get3A_0] : memref<4096x16xf32, #tpu.memory_space<vmem>>, vector<4096x16xf32>
    %get3A_2 = arith.constant 0 : index
    %get3A_3 = arith.constant 0 : index
    %get3A_4 = vector.load %arg1[%get3A_2, %get3A_3] : memref<2x4096xi32, #tpu.memory_space<vmem>>, vector<2x4096xi32>
    %iota3A = tpu.iota {dimensions = array<i32: 0>} : vector<4x4096xi32>
    %get3A_5 = arith.constant 0 : index
    %get3A_6 = arith.constant 0 : index
    %get3A_7 = vector.load %arg2[%get3A_5, %get3A_6] : memref<4x16xf32, #tpu.memory_space<vmem>>, vector<4x16xf32>
    %get3A_8 = arith.constant 0 : index
    %get3A_9 = arith.constant 0 : index
    %get3A_10 = vector.load %arg3[%get3A_8, %get3A_9] : memref<4x1xf32, #tpu.memory_space<vmem>>, vector<4x1xf32>
    %slice3A = vector.extract_strided_slice %get3A_4 {offsets = [0, 0], sizes = [1, 4096], strides = [1, 1]} : vector<2x4096xi32> to vector<1x4096xi32>
    %dot_general3A = arith.constant dense<0.000000e+00> : vector<4x4096xf32>
    %dot_general3A_11 = tpu.matmul %get3A_7, %get3A_1, %dot_general3A {dimension_numbers = #tpu.dot_dimension_numbers<[1], [1], [0], [0], [0, 0, 1, 0], [], []>, precision = #tpu.contract_precision<fp32>, transpose_lhs_hint = false} : vector<4x16xf32>, vector<4096x16xf32>, vector<4x4096xf32> -> vector<4x4096xf32>
    %mul3A = arith.constant 2.000000e+02 : f32
    %mul3A_12 = vector.broadcast %mul3A : f32 to vector<4x1xf32>
    %mul3A_13 = arith.mulf %mul3A_12, %get3A_10 : vector<4x1xf32>
    %add3A = vector.broadcast %mul3A_13 : vector<4x1xf32> to vector<4x4096xf32>
    %add3A_14 = arith.addf %dot_general3A_11, %add3A : vector<4x4096xf32>
    %lt3A = arith.constant 3 : i32
    %lt3A_15 = vector.broadcast %lt3A : i32 to vector<4x4096xi32>
    %lt3A_16 = arith.cmpi slt, %iota3A, %lt3A_15 : vector<4x4096xi32>
    %jit3A = arith.constant 0xFF800000 : f32
    %broadcast_in_dim3A = vector.broadcast %jit3A : f32 to vector<4x4096xf32>
    %select_n3A = arith.select %lt3A_16, %add3A_14, %broadcast_in_dim3A : vector<4x4096xi1>, vector<4x4096xf32>
    %reduce_max3A = arith.constant dense<0xFF800000> : vector<4096xf32>
    %reduce_max3A_17 = vector.multi_reduction <maximumf>, %select_n3A, %reduce_max3A [0] : vector<4x4096xf32> to vector<4096xf32>
    %broadcast_in_dim3A_18 = vector.shape_cast %reduce_max3A_17 : vector<4096xf32> to vector<1x4096xf32>
    %sub3A = vector.broadcast %broadcast_in_dim3A_18 : vector<1x4096xf32> to vector<4x4096xf32>
    %sub3A_19 = arith.subf %select_n3A, %sub3A : vector<4x4096xf32>
    %exp3A = math.exp %sub3A_19 : vector<4x4096xf32>
    %reduce_sum3A = arith.constant dense<0.000000e+00> : vector<4096xf32>
    %reduce_sum3A_20 = vector.multi_reduction <add>, %exp3A, %reduce_sum3A [0] : vector<4x4096xf32> to vector<4096xf32>
    %broadcast_in_dim3A_21 = vector.shape_cast %reduce_sum3A_20 : vector<4096xf32> to vector<1x4096xf32>
    %log3A = math.log %broadcast_in_dim3A_21 : vector<1x4096xf32>
    %add3A_22 = arith.addf %log3A, %broadcast_in_dim3A_18 : vector<1x4096xf32>
    %eq3A = vector.broadcast %slice3A : vector<1x4096xi32> to vector<4x4096xi32>
    %eq3A_23 = arith.cmpi eq, %iota3A, %eq3A : vector<4x4096xi32>
    %jit3A_24 = arith.constant 0.000000e+00 : f32
    %broadcast_in_dim3A_25 = vector.broadcast %jit3A_24 : f32 to vector<4x4096xf32>
    %select_n3A_26 = arith.select %eq3A_23, %select_n3A, %broadcast_in_dim3A_25 : vector<4x4096xi1>, vector<4x4096xf32>
    %reduce_sum3A_27 = arith.constant dense<0.000000e+00> : vector<4096xf32>
    %reduce_sum3A_28 = vector.multi_reduction <add>, %select_n3A_26, %reduce_sum3A_27 [0] : vector<4x4096xf32> to vector<4096xf32>
    %broadcast_in_dim3A_29 = vector.shape_cast %reduce_sum3A_28 : vector<4096xf32> to vector<1x4096xf32>
    %sub3A_30 = arith.subf %add3A_22, %broadcast_in_dim3A_29 : vector<1x4096xf32>
    %reduce_sum3A_31 = arith.constant dense<0.000000e+00> : vector<1xf32>
    %reduce_sum3A_32 = vector.multi_reduction <add>, %sub3A_30, %reduce_sum3A_31 [1] : vector<1x4096xf32> to vector<1xf32>
    %broadcast_in_dim3A_33 = vector.shape_cast %reduce_sum3A_32 : vector<1xf32> to vector<1x1xf32>
    %div3A = arith.constant 4.096000e+03 : f32
    %div3A_34 = vector.broadcast %div3A : f32 to vector<1x1xf32>
    %div3A_35 = arith.divf %broadcast_in_dim3A_33, %div3A_34 : vector<1x1xf32>
    %slice3A_36 = vector.extract_strided_slice %select_n3A {offsets = [0, 0], sizes = [1, 4096], strides = [1, 1]} : vector<4x4096xf32> to vector<1x4096xf32>
    %slice3A_37 = vector.extract_strided_slice %select_n3A {offsets = [1, 0], sizes = [1, 4096], strides = [1, 1]} : vector<4x4096xf32> to vector<1x4096xf32>
    %slice3A_38 = vector.extract_strided_slice %select_n3A {offsets = [2, 0], sizes = [1, 4096], strides = [1, 1]} : vector<4x4096xf32> to vector<1x4096xf32>
    %gt3A = arith.cmpf ogt, %slice3A_37, %slice3A_36 : vector<1x4096xf32>
    %jit3A_39 = arith.constant 1 : i32
    %jit3A_40 = arith.constant 0 : i32
    %broadcast_in_dim3A_41 = vector.broadcast %jit3A_39 : i32 to vector<1x4096xi32>
    %broadcast_in_dim3A_42 = vector.broadcast %jit3A_40 : i32 to vector<1x4096xi32>
    %select_n3A_43 = arith.select %gt3A, %broadcast_in_dim3A_41, %broadcast_in_dim3A_42 : vector<1x4096xi1>, vector<1x4096xi32>
    %max3A = arith.maximumf %slice3A_36, %slice3A_37 : vector<1x4096xf32>
    %gt3A_44 = arith.cmpf ogt, %slice3A_38, %max3A : vector<1x4096xf32>
    %jit3A_45 = arith.constant 2 : i32
    %broadcast_in_dim3A_46 = vector.broadcast %jit3A_45 : i32 to vector<1x4096xi32>
    %select_n3A_47 = arith.select %gt3A_44, %broadcast_in_dim3A_46, %select_n3A_43 : vector<1x4096xi1>, vector<1x4096xi32>
    %get3A_48 = arith.constant 0 : index
    %get3A_49 = arith.constant 0 : index
    %get3A_50 = vector.load %arg4[%get3A_48, %get3A_49] : memref<4x16xf32, #tpu.memory_space<vmem>>, vector<4x16xf32>
    %get3A_51 = arith.constant 0 : index
    %get3A_52 = arith.constant 0 : index
    %get3A_53 = vector.load %arg5[%get3A_51, %get3A_52] : memref<4x1xf32, #tpu.memory_space<vmem>>, vector<4x1xf32>
    %slice3A_54 = vector.extract_strided_slice %get3A_4 {offsets = [1, 0], sizes = [1, 4096], strides = [1, 1]} : vector<2x4096xi32> to vector<1x4096xi32>
    %dot_general3A_55 = arith.constant dense<0.000000e+00> : vector<4x4096xf32>
    %dot_general3A_56 = tpu.matmul %get3A_50, %get3A_1, %dot_general3A_55 {dimension_numbers = #tpu.dot_dimension_numbers<[1], [1], [0], [0], [0, 0, 1, 0], [], []>, precision = #tpu.contract_precision<fp32>, transpose_lhs_hint = false} : vector<4x16xf32>, vector<4096x16xf32>, vector<4x4096xf32> -> vector<4x4096xf32>
    %mul3A_57 = arith.constant 2.000000e+02 : f32
    %mul3A_58 = vector.broadcast %mul3A_57 : f32 to vector<4x1xf32>
    %mul3A_59 = arith.mulf %mul3A_58, %get3A_53 : vector<4x1xf32>
    %add3A_60 = vector.broadcast %mul3A_59 : vector<4x1xf32> to vector<4x4096xf32>
    %add3A_61 = arith.addf %dot_general3A_56, %add3A_60 : vector<4x4096xf32>
    %lt3A_62 = arith.constant 3 : i32
    %lt3A_63 = vector.broadcast %lt3A_62 : i32 to vector<4x4096xi32>
    %lt3A_64 = arith.cmpi slt, %iota3A, %lt3A_63 : vector<4x4096xi32>
    %jit3A_65 = arith.constant 0xFF800000 : f32
    %broadcast_in_dim3A_66 = vector.broadcast %jit3A_65 : f32 to vector<4x4096xf32>
    %select_n3A_67 = arith.select %lt3A_64, %add3A_61, %broadcast_in_dim3A_66 : vector<4x4096xi1>, vector<4x4096xf32>
    %reduce_max3A_68 = arith.constant dense<0xFF800000> : vector<4096xf32>
    %reduce_max3A_69 = vector.multi_reduction <maximumf>, %select_n3A_67, %reduce_max3A_68 [0] : vector<4x4096xf32> to vector<4096xf32>
    %broadcast_in_dim3A_70 = vector.shape_cast %reduce_max3A_69 : vector<4096xf32> to vector<1x4096xf32>
    %sub3A_71 = vector.broadcast %broadcast_in_dim3A_70 : vector<1x4096xf32> to vector<4x4096xf32>
    %sub3A_72 = arith.subf %select_n3A_67, %sub3A_71 : vector<4x4096xf32>
    %exp3A_73 = math.exp %sub3A_72 : vector<4x4096xf32>
    %reduce_sum3A_74 = arith.constant dense<0.000000e+00> : vector<4096xf32>
    %reduce_sum3A_75 = vector.multi_reduction <add>, %exp3A_73, %reduce_sum3A_74 [0] : vector<4x4096xf32> to vector<4096xf32>
    %broadcast_in_dim3A_76 = vector.shape_cast %reduce_sum3A_75 : vector<4096xf32> to vector<1x4096xf32>
    %log3A_77 = math.log %broadcast_in_dim3A_76 : vector<1x4096xf32>
    %add3A_78 = arith.addf %log3A_77, %broadcast_in_dim3A_70 : vector<1x4096xf32>
    %eq3A_79 = vector.broadcast %slice3A_54 : vector<1x4096xi32> to vector<4x4096xi32>
    %eq3A_80 = arith.cmpi eq, %iota3A, %eq3A_79 : vector<4x4096xi32>
    %jit3A_81 = arith.constant 0.000000e+00 : f32
    %broadcast_in_dim3A_82 = vector.broadcast %jit3A_81 : f32 to vector<4x4096xf32>
    %select_n3A_83 = arith.select %eq3A_80, %select_n3A_67, %broadcast_in_dim3A_82 : vector<4x4096xi1>, vector<4x4096xf32>
    %reduce_sum3A_84 = arith.constant dense<0.000000e+00> : vector<4096xf32>
    %reduce_sum3A_85 = vector.multi_reduction <add>, %select_n3A_83, %reduce_sum3A_84 [0] : vector<4x4096xf32> to vector<4096xf32>
    %broadcast_in_dim3A_86 = vector.shape_cast %reduce_sum3A_85 : vector<4096xf32> to vector<1x4096xf32>
    %sub3A_87 = arith.subf %add3A_78, %broadcast_in_dim3A_86 : vector<1x4096xf32>
    %reduce_sum3A_88 = arith.constant dense<0.000000e+00> : vector<1xf32>
    %reduce_sum3A_89 = vector.multi_reduction <add>, %sub3A_87, %reduce_sum3A_88 [1] : vector<1x4096xf32> to vector<1xf32>
    %broadcast_in_dim3A_90 = vector.shape_cast %reduce_sum3A_89 : vector<1xf32> to vector<1x1xf32>
    %div3A_91 = arith.constant 4.096000e+03 : f32
    %div3A_92 = vector.broadcast %div3A_91 : f32 to vector<1x1xf32>
    %div3A_93 = arith.divf %broadcast_in_dim3A_90, %div3A_92 : vector<1x1xf32>
    %slice3A_94 = vector.extract_strided_slice %select_n3A_67 {offsets = [0, 0], sizes = [1, 4096], strides = [1, 1]} : vector<4x4096xf32> to vector<1x4096xf32>
    %slice3A_95 = vector.extract_strided_slice %select_n3A_67 {offsets = [1, 0], sizes = [1, 4096], strides = [1, 1]} : vector<4x4096xf32> to vector<1x4096xf32>
    %slice3A_96 = vector.extract_strided_slice %select_n3A_67 {offsets = [2, 0], sizes = [1, 4096], strides = [1, 1]} : vector<4x4096xf32> to vector<1x4096xf32>
    %gt3A_97 = arith.cmpf ogt, %slice3A_95, %slice3A_94 : vector<1x4096xf32>
    %jit3A_98 = arith.constant 1 : i32
    %jit3A_99 = arith.constant 0 : i32
    %broadcast_in_dim3A_100 = vector.broadcast %jit3A_98 : i32 to vector<1x4096xi32>
    %broadcast_in_dim3A_101 = vector.broadcast %jit3A_99 : i32 to vector<1x4096xi32>
    %select_n3A_102 = arith.select %gt3A_97, %broadcast_in_dim3A_100, %broadcast_in_dim3A_101 : vector<1x4096xi1>, vector<1x4096xi32>
    %max3A_103 = arith.maximumf %slice3A_94, %slice3A_95 : vector<1x4096xf32>
    %gt3A_104 = arith.cmpf ogt, %slice3A_96, %max3A_103 : vector<1x4096xf32>
    %jit3A_105 = arith.constant 2 : i32
    %broadcast_in_dim3A_106 = vector.broadcast %jit3A_105 : i32 to vector<1x4096xi32>
    %select_n3A_107 = arith.select %gt3A_104, %broadcast_in_dim3A_106, %select_n3A_102 : vector<1x4096xi1>, vector<1x4096xi32>
    %swap3A = arith.constant 0 : index
    %swap3A_108 = arith.constant 0 : index
    %swap3A_109 = vector.load %arg6[%swap3A, %swap3A_108] : memref<1x1xf32, #tpu.memory_space<vmem>>, vector<1x1xf32>
    tpu.vector_store %arg6[%swap3A, %swap3A_108], %div3A_35 {strides = array<i32>} : memref<1x1xf32, #tpu.memory_space<vmem>>, vector<1x1xf32>,
    %swap3A_110 = arith.constant 0 : index
    %swap3A_111 = arith.constant 0 : index
    %swap3A_112 = vector.load %arg7[%swap3A_110, %swap3A_111] : memref<1x1xf32, #tpu.memory_space<vmem>>, vector<1x1xf32>
    tpu.vector_store %arg7[%swap3A_110, %swap3A_111], %div3A_93 {strides = array<i32>} : memref<1x1xf32, #tpu.memory_space<vmem>>, vector<1x1xf32>,
    %swap3A_113 = arith.constant 0 : index
    %swap3A_114 = arith.constant 0 : index
    %swap3A_115 = vector.load %arg8[%swap3A_113, %swap3A_114] : memref<1x4096xi32, #tpu.memory_space<vmem>>, vector<1x4096xi32>
    tpu.vector_store %arg8[%swap3A_113, %swap3A_114], %select_n3A_47 {strides = array<i32>} : memref<1x4096xi32, #tpu.memory_space<vmem>>, vector<1x4096xi32>,
    %swap3A_116 = arith.constant 0 : index
    %swap3A_117 = arith.constant 0 : index
    %swap3A_118 = vector.load %arg9[%swap3A_116, %swap3A_117] : memref<1x4096xi32, #tpu.memory_space<vmem>>, vector<1x4096xi32>
    tpu.vector_store %arg9[%swap3A_116, %swap3A_117], %select_n3A_107 {strides = array<i32>} : memref<1x4096xi32, #tpu.memory_space<vmem>>, vector<1x4096xi32>,
    return
  }
}

</mosaic_0001>

<sc_bundles>
// kernel: kernel.4.cloned.1.call-start
scs
__scs_entry_jumppad:
0x0: {  	(pc) =	sbr.rel $0x88, $3  }
0x1: {  	(tag) =	ssettag $0x0;
	lr =	simm.s32 $0x1  }
0x2: {  	[smem:$0x3F99] =	sst lr;
	_ =	strace $0xD0000000  }
0x3: {  	_ = 	snop  }
0x4: {  	_ = 	snop  }
0x5: {  	_ = 	snop  }
0x6: {  	_ = 	snop  }
0x7: {  	_ = 	snop  }
__scs_overlays_trampoline_lowered:
0x8: {  	[smem:$0x3FA8] =	sst s0  }
0x9: {  	[smem:$0x3FA9] =	sst s1  }
0xa: {  	[smem:$0x3FAA] =	sst s2  }
0xb: {  	[smem:$0x3FAB] =	sst s3  }
0xc: {  	[smem:$0x3FAC] =	sst s4  }
0xd: {  	[smem:$0x3FAD] =	sst s5  }
0xe: {  	[smem:$0x3FAE] =	sst s6  }
0xf: {  	[smem:$0x3FAF] =	sst s7  }
0x10: {  	[smem:$0x3FB0] =	sst s8  }
0x11: {  	[smem:$0x3FB1] =	sst s9;
	s0 =	simm.s32 @!p0 $0x0  }
0x12: {  	s1 =	sld [smem:$0x3F97];
	s0 =	simm.s32 @p0 $0x1  }
0x13: {  	[smem:$0x3FB2] =	sst s0;
	s0 =	simm.s32 @!p1 $0x0  }
0x14: {  	s2 =	sld [smem:$0x3F96];
	s0 =	simm.s32 @p1 $0x1  }
0x15: {  	[smem:$0x3FB3] =	sst s0;
	s0 =	simm.s32 @!p2 $0x0  }
0x16: {  	s3 =	sld [smem:$0x3FDB];
	s0 =	simm.s32 @p2 $0x1  }
0x17: {  	s4 =	simm.s32 $0x1BF5;
	[smem:$0x3FB5] =	sst s0  }
0x18: {  	s0 =	sld [smem:$0x3F98];
	_ =	swait.ge [sflag:s4], $0x0  }
0x19: {  	s7 =	sld [smem:$0x3F99]  }
0x1a: {  	s8 =	sadd.s32 $0xFFFFE003, lr  }
0x1b: {  	s9 =	sadd.s32 $0xFFFFFEF7, lr;
	s5 =	simm.s32 $0xFFFFFFFF;
	p2 =	slt.u32 s8, $0xFFFFF086  }
0x1c: {  	p1 =	slt.u32 s9, $0xF7A;
	s5 =	simm.s32 @!p2 $0x0  }
0x1d: {  	s5 =	simm.s32 @p1 $0x1;
	p0 =	seq.s32 s7, s2  }
0x1e: {  	s7 =	smul.u32 @!p0 $0xF7A, s2;
	p2 =	seq.s32 @!p0 s5, $0x0  }
0x1f: {  	s9 =	smul.u32 $0xF7A, s1;
	s8 =	simm.s32 @!p0 $0x1BF5;
	p2 =	por !p2, p0  }
0x20: {  	[sflag:s8] =	ssyncset.s32 @!p0 $0xFFFFF086;
	s6 =	sadd.s32 @!p0 s3, s7;
	s7 =	simm.s32 @!p0 $0x108  }
0x21: {  	s3 =	sadd.s32 s3, s9;
	s6 =	sadd.s32 @!p0 $0x88, s6;
	s7 =	simm.s32 @p2 $0x1082  }
0x22: {  	[simem:s7], [sflag:s8] =	dma.local @!p0 [hbm:s6], $0xF7A  }
0x23: {  	s9 =	sor.u32 $0xD0000000, s2;
	s6 =	simm.s32 $0x108;
	_ =	swait.ge @!p0 [sflag:s8], $0x0  }
0x24: {  	s3 =	sadd.s32 $0x88, s3;
	s6 =	simm.s32 @!p1 $0x1082;
	[sflag:s4] =	ssyncset.s32 $0xFFFFF086  }
0x25: {  	[simem:s6], [sflag:s4] =	dma.local [hbm:s3], $0xF7A  }
0x26: {  	[smem:$0x3F99] =	sst s1;
	(tag) =	ssettag s2;
	_ =	strace s9  }
0x27: {  	s1 =	sld [smem:$0x3FA9]  }
0x28: {  	s2 =	sld [smem:$0x3FAA]  }
0x29: {  	s4 =	sld [smem:$0x3FAC]  }
0x2a: {  	p0 =	seq.s32 s5, $0x0;
	s5 =	sld [smem:$0x3FAD]  }
0x2b: {  	s6 =	sld [smem:$0x3FAE]  }
0x2c: {  	s7 =	sld [smem:$0x3FAF]  }
0x2d: {  	s3 =	simm.s32 $0x108;
	s8 =	sld [smem:$0x3FB0]  }
0x2e: {  	s3 =	simm.s32 @!p0 $0x1082;
	s9 =	sld [smem:$0x3FB1]  }
0x2f: {  	lr =	sadd.s32 s0, s3;
	s0 =	sld [smem:$0x3FA8]  }
0x30: {  	s3 =	sld [smem:$0x3FAB]  }
0x31: {  	[smem:$0x3FB4] =	sst s10  }
0x32: {  	s10 =	sld [smem:$0x3FB2];
	_ =	sdelay $0x3  }
0x33: {  	p0 =	seq.s32 s10, $0x1;
	s10 =	sld [smem:$0x3FB4];
	_ =	sdelay $0x3  }
0x34: {  	[smem:$0x3FB4] =	sst s10  }
0x35: {  	s10 =	sld [smem:$0x3FB3];
	_ =	sdelay $0x3  }
0x36: {  	p1 =	seq.s32 s10, $0x1;
	s10 =	sld [smem:$0x3FB4];
	_ =	sdelay $0x3  }
0x37: {  	[smem:$0x3FB4] =	sst s10  }
0x38: {  	s10 =	sld [smem:$0x3FB5]  }
0x39: {  	_ = 	snop;
	(pc) =	sbr.ind lr, $3  }
0x3a: {  	_ = 	snop  }
0x3b: {  	_ = 	snop  }
0x3c: {  	p2 =	seq.s32 s10, $0x1;
	s10 =	sld [smem:$0x3FB4]  }
0x3d: {  	_ =	shalt  }
0x3e: {  	_ =	shalt  }
0x3f: {  	_ =	shalt  }
0x40: {  	_ =	shalt  }
0x41: {  	_ =	shalt  }
0x42: {  	_ =	shalt  }
0x43: {  	_ =	shalt  }
0x44: {  	_ =	shalt  }
0x45: {  	_ =	shalt  }
0x46: {  	_ =	shalt  }
0x47: {  	_ =	shalt  }
0x48: {  	_ =	shalt  }
0x49: {  	_ =	shalt  }
0x4a: {  	_ =	shalt  }
0x4b: {  	_ =	shalt  }
0x4c: {  	_ =	shalt  }
0x4d: {  	_ =	shalt  }
0x4e: {  	_ =	shalt  }
0x4f: {  	_ =	shalt  }
0x50: {  	_ =	shalt  }
0x51: {  	_ =	shalt  }
0x52: {  	_ =	shalt  }
0x53: {  	_ =	shalt  }
0x54: {  	_ =	shalt  }
0x55: {  	_ =	shalt  }
0x56: {  	_ =	shalt  }
0x57: {  	_ =	shalt  }
0x58: {  	_ =	shalt  }
0x59: {  	_ =	shalt  }
0x5a: {  	_ =	shalt  }
0x5b: {  	_ =	shalt  }
0x5c: {  	_ =	shalt  }
0x5d: {  	_ =	shalt  }
0x5e: {  	_ =	shalt  }
0x5f: {  	_ =	shalt  }
0x60: {  	_ =	shalt  }
0x61: {  	_ =	shalt  }
0x62: {  	_ =	shalt  }
0x63: {  	_ =	shalt  }
0x64: {  	_ =	shalt  }
0x65: {  	_ =	shalt  }
0x66: {  	_ =	shalt  }
0x67: {  	_ =	shalt  }
0x68: {  	_ =	shalt  }
0x69: {  	_ =	shalt  }
0x6a: {  	_ =	shalt  }
0x6b: {  	_ =	shalt  }
0x6c: {  	_ =	shalt  }
0x6d: {  	_ =	shalt  }
0x6e: {  	_ =	shalt  }
0x6f: {  	_ =	shalt  }
0x70: {  	_ =	shalt  }
0x71: {  	_ =	shalt  }
0x72: {  	_ =	shalt  }
0x73: {  	_ =	shalt  }
0x74: {  	_ =	shalt  }
0x75: {  	_ =	shalt  }
0x76: {  	_ =	shalt  }
0x77: {  	_ =	shalt  }
0x78: {  	_ =	shalt  }
0x79: {  	_ =	shalt  }
0x7a: {  	_ =	shalt  }
0x7b: {  	_ =	shalt  }
0x7c: {  	_ =	shalt  }
0x7d: {  	_ =	shalt  }
0x7e: {  	_ =	shalt  }
0x7f: {  	_ =	shalt  }
0x80: {  	_ =	shalt  }
0x81: {  	_ =	shalt  }
0x82: {  	_ =	shalt  }
0x83: {  	_ =	shalt  }
0x84: {  	_ =	shalt  }
0x85: {  	_ =	shalt  }
0x86: {  	_ =	shalt  }
0x87: {  	_ =	shalt  }
.Lfunc_end0:
.L_simem_size_0:
called_computation_lowered:
.L_overlay_start_0:
0x88: {  	s2 =	sld [smem:$0x3FD9]  }
0x89: {  	s3 =	sld [smem:$0x3FFE];
	_ =	sdelay $0x1  }
0x8a: {  	s1 =	srdreg.scid  }
0x8b: {  	s0 =	sand.u32 $0x1, s1  }
0x8c: {  	s16 =	sshll.u32 s0, $0xA;
	s2 =	sadd.s32 s3, s2  }
0x8d: {  	s2 =	sadd.s32 s2, s16  }
0x8e: {  	[smem:$0x3FC0] =	sst s2  }
0x8f: {  	_ = 	snop  }
0x90: {  	(tm) =	ssettm $0x1  }
0x91: {  	s17 =	sld [smem:$0x3FFB];
	_ =	sdelay $0x3  }
0x92: {  	_ =	strace s17  }
0x93: {  	s2 =	sld [smem:$0x3FFC];
	_ =	sdelay $0x3  }
0x94: {  	_ =	strace s2  }
0x95: {  	s2 =	sld [smem:$0x3FFD];
	_ =	sdelay $0x3  }
0x96: {  	_ =	strace s2  }
0x97: {  	_ =	strace $0x8FFFFFFF  }
0x98: {  	s18 =	sld [smem:$0x3FDB];
	_ =	sdelay $0x1  }
0x99: {  	s19 =	simm.s32 $_scs_section_size  }
0x9a: {  	s4 =	simm.s32 $_size__tile_overlayer_lowered;
	s5 =	simm.s32 $_tile_overlayer_lowered  }
0x9b: {  	s22 =	simm.s32 $0x1BFF;
	s21 =	sshll.u32 s5, $0x1;
	s2 =	sadd.s32 s19, s18  }
0x9c: {  	s6 =	simm.s32 $0x0;
	s20 =	sshll.u32 s4, $0x1;
	s4 =	sadd.s32 s21, s2  }
0x9d: {  	[timem:s6], [sflag:s22] =	dma.local [hbm:s4], s20  }
0x9e: {  	_ =	swait.ge [sflag:s22], s20  }
0x9f: {  	s3 =	ssub.s32 $0x0, s20;
	[sflag:s22] =	ssyncset.done $0x0  }
0xa0: {  	[sflag:s22] =	ssyncadd.s32 s3;
	_ =	sdelay $0x1  }
0xa1: {  	s23 =	simm.s32 $0x1B8B  }
0xa2: {  	_ =	swait.ge [sflag:s23], $0x1  }
0xa3: {  	[sflag:s23] =	ssyncset.done $0x0  }
0xa4: {  	s25 =	simm.s32 $0x1B8E;
	s24 =	sld [smem:$0x3FFE];
	[sflag:s23] =	ssyncadd.s32 $0xFFFFFFFF  }
0xa5: {  	s26 =	simm.s32 $execute0_lowered;
	[smem:$0x3FD2] =	sst s25  }
0xa6: {  	s4 =	sshll.u32 s26, $0x1;
	_ =	strace $0x80000046;
	[dreg:$0x1] =	wrdreg $0xFFFFFFFF  }
0xa7: {  	s28 =	simm.s32 $_size_execute0_lowered;
	s2 =	sadd.s32 s2, s4;
	[dreg:$0x0] =	wrdreg $0x0  }
0xa8: {  	s4 =	sshll.u32 s28, $0x1;
	[dreg:$0x2] =	wrdreg s2  }
0xa9: {  	[dreg:$0x3] =	wrdreg s4  }
0xaa: {  	[dreg:$0x4] =	wrdreg $0xC0  }
0xab: {  	_ =	task [dreg:s6], $0x5FFFF  }
0xac: {  	[dreg:$0x1] =	wrdreg $0xFFFFFFFF  }
0xad: {  	[dreg:$0x0] =	wrdreg $0x60  }
0xae: {  	[dreg:$0x2] =	wrdreg s24  }
0xaf: {  	[dreg:$0x3] =	wrdreg $0x72400  }
0xb0: {  	[dreg:$0x4] =	wrdreg $0x9  }
0xb1: {  	_ =	task.clear_ibuf [dreg:s6], $0x5FFFF;
	_ =	strace $0x90000046  }
0xb2: {  	s29 =	simm.s32 $0x9;
	_ =	strace $0x80000048  }
0xb3: {  	_ =	swait.ge [sflag:s29], $0x1  }
0xb4: {  	[sflag:s29] =	ssyncadd.s32 $0xFFFFFFFF  }
0xb5: {  	_ =	strace $0x90000048  }
0xb6: {  	_ =	sfence  }
0xb7: {  	s30 =	sld [smem:$0x0];
	_ =	sdelay $0x2  }
0xb8: {  	s31 =	sshll.u32 s1, $0xD;
	s1 =	sshrl.u32 s1, $0x2  }
0xb9: {  	s3 =	sand.u32 $0x4000, s31;
	s1 =	sadd.s32 s1, s30  }
0xba: {  	s0 =	sor.u32 s3, s0;
	s1 =	sshll.u32 s1, $0x11  }
0xbb: {  	s0 =	sor.u32 s1, s0  }
0xbc: {  	s0 =	sadd.s32 $0x8F2B, s0  }
0xbd: {  	[sflag:s0] =	ssyncadd.remote.s32 $0x1  }
0xbe: {  	_ =	sfence.sel $0xFFFF  }
0xbf: {  	[dreg:$0x0] =	wrdreg $0xFFFFFFFF;
	(pc) =	sbr.abs _section_cstart, $3  }
0xc0: {  	[dreg:$0x1] =	wrdreg $0xFFFFFFFF  }
0xc1: {  	_ =	task.clear_ibuf [dreg:s6], $0x2FFFF;
	_ =	strace $0x9FFFFFFF  }
0xc2: {  	(tm) =	ssettm $0x7FFFFFFF  }
0xc3: {  	_ =	shalt  }
tec
execute0_lowered:
.L_overlay_start_1:
0x0: {  	(tag) =	ssettag $0x1  }
0x1: {  	s5 =	rddreg [dreg:$0x0]  }
0x2: {  	s2 =	rddreg [dreg:$0x1]  }
0x3: {  	s0 =	rddreg [dreg:$0x2]  }
0x4: {  	s3 =	simm.s32 $0x0;
	s1 =	stileid.u32;
	s7 =	srdreg.scid  }
0x5: {  	s16 =	simm.s32 $0x320;
	s17 =	simm.s32 $0x640;
	s18 =	simm.s32 $0x2  }
0x6: {  	s19 =	simm.s32 $0x3840;
	s20 =	simm.s32 $0x3;
	s21 =	simm.s32 $0x6A40  }
0x7: {  	s22 =	simm.s32 $0x0;
	[smem:$0x7FF] =	sst s3;
	s6 =	smul.u32 $0x18700, s1  }
0x8: {  	s4 =	sadd.s32 $0x1600, s5;
	s7 =	sand.u32 $0x1, s7;
	s8 =	sshll.u32 s1, $0x1  }
0x9: {  	s30 =	sshll.u32 s1, $0x6;
	_ =	strace $0x80000047;
	s8 =	sor.u32 s7, s8  }
0xa: {  	s7 =	ssub.s32 $0x2, s7;
	s9 =	sshrl.u32 s6, $0x3;
	s10 =	sshll.u32 s8, $0x8  }
0xb: {  	s11 =	sshrl.u32 s7, $0x1;
	s12 =	smul.u32 $0x6400, s8;
	s15 =	sadd.s32 s6, s2  }
0xc: {  	s6 =	sor.u32 $0x1C05, s30;
	s29 =	sadd.s32 s9, s5;
	s13 =	sadd.s32 s10, s5  }
0xd: {  	s14 =	ssub.s32 s7, s11;
	s31 =	sshrl.u32 s12, $0x3;
	s5 =	sadd.s32 $0x188600, s29  }
0xe: {  	s9 =	sadd.s32 $0x640, s12;
	s10 =	sadd.s32 $0x960, s12;
	s11 =	sadd.s32 $0x1A600, s13  }
0xf: {  	s12 =	smax.u32 s14, $0x1;
	s13 =	sshrl.u32 s15, $0x3;
	s7 =	sadd.s32 s4, s31  }
0x10: {  	s14 =	simm.s32 $0x5;
	s15 =	simm.s32 $0x1;
	s8 =	sadd.s32 $0x64, s7  }
.LBB2_1:
0x11: {  	[spmem:s13], [sflag:s6] =	dma.local [hbm:s5], $0x30E0  }
0x12: {  	_ =	swait.ge [sflag:s14], $0x30E0  }
0x13: {  	[sflag:s14] =	ssyncset.done $0x0  }
0x14: {  	[sflag:s14] =	ssyncadd.s32 $0xFFFFCF20  }
0x15: {  	[tilespmem:s3], [sflag:$0x1] =	stream.linear.gather [hbm4b:s7+s3], $0x320, $0x38;
	[tilespmem:$0x1F940] =	vst v63  }
0x16: {  	[bflag:$0x0] =	sbarrier.arrive $0xFFFF  }
0x17: {  	_ =	swait.ge [sflag:s15], $0x320  }
0x18: {  	[sflag:s15] =	ssyncset.done $0x0  }
0x19: {  	[sflag:s15] =	ssyncadd.s32 $0xFFFFFCE0  }
0x1a: {  	[tilespmem:s17], [sflag:$0x3] =	stream.indirect.gather [spmem:s2], $0x10, s3, s16, $0xb8;
	[tilespmem:$0x1F940] =	vst v63  }
0x1b: {  	s23 =	simm.s32 $0x0  }
0x1c: {  	[tilespmem:s16], [sflag:$0x2] =	stream.linear.gather [hbm4b:s8+s3], $0x320, $0x38;
	[tilespmem:$0x1F940] =	vst v63  }
.LBB2_2:
0x1d: {  	_ =	swait.ge [sflag:s18], $0x320  }
0x1e: {  	p0 =	seq.s32 s23, $0xF;
	[sflag:s18] =	ssyncset.done $0x0  }
0x1f: {  	s24 =	smul.u32 @!p0 $0x640, s23;
	[sflag:s18] =	ssyncadd.s32 $0xFFFFFCE0  }
0x20: {  	[tilespmem:s19], [sflag:$0x4] =	stream.indirect.gather [spmem:s2], $0x10, s16, s16, $0xb8;
	[tilespmem:$0x1F940] =	vst v63  }
0x21: {  	s24 =	sadd.s32 @!p0 s24, s9;
	_ =	swait.ge [sflag:s20], $0x3200  }
0x22: {  	s31 =	simm.s32 $0x6E0;
	s24 =	sshrl.u32 @!p0 s24, $0x3;
	[sflag:s20] =	ssyncset.done $0x0  }
0x23: {  	s25 =	simm.s32 @!p0 $0x0;
	s24 =	sadd.s32 @!p0 s4, s24;
	[sflag:s20] =	ssyncadd.s32 $0xFFFFCE00  }
0x24: {  	[tilespmem:s25], [sflag:$0x1] =	stream.linear.gather @!p0 [hbm4b:s24+s25], $0x320, $0x38;
	[tilespmem:$0x1F940] =	vst v63  }
0x25: {  	v0 =	vld [tilespmem:s31+$0x60]  }
0x26: {  	v2 =	vld [tilespmem:s31+$0x70]  }
0x27: {  	v1 =	vld [tilespmem:s31+$0x20]  }
0x28: {  	v3 =	vld [tilespmem:s31+$0x30]  }
0x29: {  	v9 =	vld [tilespmem:s31+$0xFFFFFFE0]  }
0x2a: {  	v13 =	vld [tilespmem:s31+$0xFFFFFFF0]  }
0x2b: {  	v6 =	vld [tilespmem:s31+$0xFFFFFFA0]  }
0x2c: {  	v8 =	vld [tilespmem:s31+$0xFFFFFFB0]  }
0x2d: {  	v5 =	vld [tilespmem:s31+$0xFFFFFF60]  }
0x2e: {  	v7 =	vld [tilespmem:s31+$0xFFFFFF70]  }
0x2f: {  	v10 =	vld [tilespmem:s31+$0xFFFFFF80]  }
0x30: {  	v11 =	vld [tilespmem:s31+$0xFFFFFF90]  }
0x31: {  	v12 =	vld [tilespmem:s31+$0xFFFFFFC0]  }
0x32: {  	v14 =	vld [tilespmem:s31+$0xFFFFFFD0]  }
0x33: {  	v15 =	vimm.f32 $0.0e+00;
	v4 =	vld [tilespmem:s31+$0x0]  }
0x34: {  	v16 =	vadd.f32 v5, v15;
	v17 =	vadd.f32 v7, v15;
	v7 =	vld [tilespmem:s31+$0x10]  }
0x35: {  	v10 =	vadd.f32 v10, v15;
	v11 =	vadd.f32 v11, v15;
	v5 =	vld [tilespmem:s31+$0x40]  }
0x36: {  	v15 =	vadd.f32 v6, v16;
	v63 =	vadd.f32 v8, v17;
	v8 =	vld [tilespmem:s31+$0x50]  }
0x37: {  	v10 =	vadd.f32 v12, v10;
	v11 =	vadd.f32 v14, v11;
	v6 =	vld [tilespmem:s31+$0x80]  }
0x38: {  	s24 =	simm.s32 $0x0;
	s25 =	simm.s32 $0x820;
	v12 =	vadd.f32 v9, v15;
	v13 =	vadd.f32 v13, v63;
	v9 =	vld [tilespmem:s31+$0x90]  }
.LBB2_3:
0x39: {  	v14 =	vld [tilespmem:s25+$0x60];
	v4 =	vadd.f32 v4, v10;
	v7 =	vadd.f32 v7, v11  }
0x3a: {  	v10 =	vld [tilespmem:s25+$0x70];
	v11 =	vadd.f32 v1, v12;
	v12 =	vadd.f32 v3, v13  }
0x3b: {  	v1 =	vld [tilespmem:s25+$0x20];
	v4 =	vadd.f32 v5, v4;
	v5 =	vadd.f32 v8, v7  }
0x3c: {  	v3 =	vld [tilespmem:s25+$0x30];
	v7 =	vadd.f32 v0, v11;
	v8 =	vadd.f32 v2, v12  }
0x3d: {  	v12 =	vld [tilespmem:s25+$0xFFFFFFE0];
	v6 =	vadd.f32 v6, v4;
	v5 =	vadd.f32 v9, v5  }
0x3e: {  	v9 =	vld [tilespmem:s25+$0xFFFFFFF0];
	v0 =	vmov v14  }
0x3f: {  	v11 =	vld [tilespmem:s25+$0xFFFFFFA0];
	v2 =	vmov v10  }
0x40: {  	v10 =	vld [tilespmem:s25+$0xFFFFFFB0]  }
0x41: {  	v13 =	vld [tilespmem:s25+$0xFFFFFF60]  }
0x42: {  	v14 =	vld [tilespmem:s25+$0xFFFFFF70]  }
0x43: {  	v15 =	vld [tilespmem:s25+$0xFFFFFF80]  }
0x44: {  	s24 =	sadd.s32 $0x5, s24;
	v16 =	vld [tilespmem:s25+$0xFFFFFF90]  }
0x45: {  	p0 =	slt.u32 s24, $0x2D;
	v17 =	vld [tilespmem:s25+$0xFFFFFFC0]  }
0x46: {  	v18 =	vld [tilespmem:s25+$0xFFFFFFD0]  }
0x47: {  	v4 =	vld [tilespmem:s25+$0x0]  }
.Ltmp0:
0x48: {  	v13 =	vadd.f32 v13, v7;
	v8 =	vadd.f32 v14, v8;
	v7 =	vld [tilespmem:s25+$0x10];
	(pc) =	sbr.rel @p0 .LBB2_3-.Ltmp0, $4  }
0x49: {  	v6 =	vadd.f32 v15, v6;
	v14 =	vadd.f32 v16, v5;
	v5 =	vld [tilespmem:s25+$0x40]  }
0x4a: {  	v13 =	vadd.f32 v11, v13;
	v15 =	vadd.f32 v10, v8;
	v8 =	vld [tilespmem:s25+$0x50]  }
0x4b: {  	v10 =	vadd.f32 v17, v6;
	v11 =	vadd.f32 v18, v14;
	v6 =	vld [tilespmem:s25+$0x80]  }
0x4c: {  	v12 =	vadd.f32 v12, v13;
	v13 =	vadd.f32 v9, v15;
	v9 =	vld [tilespmem:s25+$0x90];
	s25 =	sadd.s32 $0x140, s25  }
0x4d: {  	v4 =	vadd.f32 v4, v10;
	v7 =	vadd.f32 v7, v11  }
0x4e: {  	v1 =	vadd.f32 v1, v12;
	v3 =	vadd.f32 v3, v13  }
0x4f: {  	v4 =	vadd.f32 v5, v4;
	v5 =	vadd.f32 v8, v7  }
0x50: {  	v0 =	vadd.f32 v0, v1;
	v1 =	vadd.f32 v2, v3  }
0x51: {  	v2 =	vadd.f32 v6, v4;
	v3 =	vadd.f32 v9, v5;
	_ =	sdelay $0x1  }
0x52: {  	v0 =	vadd.f32 v1, v0;
	v1 =	vadd.f32 v3, v2;
	_ =	sdelay $0x1  }
0x53: {  	s24 =	sshll.u32 s23, $0x7;
	v0 =	vadd.f32 v1, v0  }
0x54: {  	s24 =	sand.u32 $0x3FFFFF80, s24  }
0x55: {  	s26 =	simm.s32 $0x13F0;
	[tilespmem:s24+$0x6A40] =	vst v0  }
0x56: {  	v0 =	vld [tilespmem:s26+$0xFFFFFFD0]  }
0x57: {  	v2 =	vld [tilespmem:s26+$0xFFFFFFE0]  }
0x58: {  	v1 =	vld [tilespmem:s26+$0xFFFFFF90]  }
0x59: {  	v3 =	vld [tilespmem:s26+$0xFFFFFFA0]  }
0x5a: {  	v9 =	vld [tilespmem:s26+$0xFFFFFF50]  }
0x5b: {  	v13 =	vld [tilespmem:s26+$0xFFFFFF60]  }
0x5c: {  	v6 =	vld [tilespmem:s26+$0xFFFFFF10]  }
0x5d: {  	v8 =	vld [tilespmem:s26+$0xFFFFFF20]  }
0x5e: {  	v5 =	vld [tilespmem:s26+$0xFFFFFED0]  }
0x5f: {  	v7 =	vld [tilespmem:s26+$0xFFFFFEE0]  }
0x60: {  	v10 =	vld [tilespmem:s26+$0xFFFFFEF0]  }
0x61: {  	v11 =	vld [tilespmem:s26+$0xFFFFFF00]  }
0x62: {  	v12 =	vld [tilespmem:s26+$0xFFFFFF30]  }
0x63: {  	v14 =	vld [tilespmem:s26+$0xFFFFFF40]  }
0x64: {  	v15 =	vimm.f32 $0.0e+00;
	v4 =	vld [tilespmem:s26+$0xFFFFFF70]  }
0x65: {  	v16 =	vadd.f32 v5, v15;
	v17 =	vadd.f32 v7, v15;
	v7 =	vld [tilespmem:s26+$0xFFFFFF80]  }
0x66: {  	v10 =	vadd.f32 v10, v15;
	v11 =	vadd.f32 v11, v15;
	v5 =	vld [tilespmem:s26+$0xFFFFFFB0]  }
0x67: {  	v15 =	vadd.f32 v6, v16;
	v63 =	vadd.f32 v8, v17;
	v8 =	vld [tilespmem:s26+$0xFFFFFFC0]  }
0x68: {  	v10 =	vadd.f32 v12, v10;
	v11 =	vadd.f32 v14, v11;
	v6 =	vld [tilespmem:s26+$0xFFFFFFF0]  }
0x69: {  	s25 =	simm.s32 $0x0;
	v12 =	vadd.f32 v9, v15;
	v13 =	vadd.f32 v13, v63;
	v9 =	vld [tilespmem:s26+$0x0];
	s26 =	simm.s32 $0x1530  }
.LBB2_5:
0x6a: {  	v14 =	vld [tilespmem:s26+$0xFFFFFFD0];
	v4 =	vadd.f32 v4, v10;
	v7 =	vadd.f32 v7, v11  }
0x6b: {  	v10 =	vld [tilespmem:s26+$0xFFFFFFE0];
	v11 =	vadd.f32 v1, v12;
	v12 =	vadd.f32 v3, v13  }
0x6c: {  	v1 =	vld [tilespmem:s26+$0xFFFFFF90];
	v4 =	vadd.f32 v5, v4;
	v5 =	vadd.f32 v8, v7  }
0x6d: {  	v3 =	vld [tilespmem:s26+$0xFFFFFFA0];
	v7 =	vadd.f32 v0, v11;
	v8 =	vadd.f32 v2, v12  }
0x6e: {  	v12 =	vld [tilespmem:s26+$0xFFFFFF50];
	v6 =	vadd.f32 v6, v4;
	v5 =	vadd.f32 v9, v5  }
0x6f: {  	v9 =	vld [tilespmem:s26+$0xFFFFFF60];
	v0 =	vmov v14  }
0x70: {  	v11 =	vld [tilespmem:s26+$0xFFFFFF10];
	v2 =	vmov v10  }
0x71: {  	v10 =	vld [tilespmem:s26+$0xFFFFFF20]  }
0x72: {  	v13 =	vld [tilespmem:s26+$0xFFFFFED0]  }
0x73: {  	v14 =	vld [tilespmem:s26+$0xFFFFFEE0]  }
0x74: {  	v15 =	vld [tilespmem:s26+$0xFFFFFEF0]  }
0x75: {  	s25 =	sadd.s32 $0x5, s25;
	v16 =	vld [tilespmem:s26+$0xFFFFFF00]  }
0x76: {  	p0 =	slt.u32 s25, $0x2D;
	v17 =	vld [tilespmem:s26+$0xFFFFFF30]  }
0x77: {  	v18 =	vld [tilespmem:s26+$0xFFFFFF40]  }
0x78: {  	v4 =	vld [tilespmem:s26+$0xFFFFFF70]  }
.Ltmp1:
0x79: {  	v13 =	vadd.f32 v13, v7;
	v8 =	vadd.f32 v14, v8;
	v7 =	vld [tilespmem:s26+$0xFFFFFF80];
	(pc) =	sbr.rel @p0 .LBB2_5-.Ltmp1, $4  }
0x7a: {  	v6 =	vadd.f32 v15, v6;
	v14 =	vadd.f32 v16, v5;
	v5 =	vld [tilespmem:s26+$0xFFFFFFB0]  }
0x7b: {  	v13 =	vadd.f32 v11, v13;
	v15 =	vadd.f32 v10, v8;
	v8 =	vld [tilespmem:s26+$0xFFFFFFC0]  }
0x7c: {  	v10 =	vadd.f32 v17, v6;
	v11 =	vadd.f32 v18, v14;
	v6 =	vld [tilespmem:s26+$0xFFFFFFF0]  }
0x7d: {  	v12 =	vadd.f32 v12, v13;
	v13 =	vadd.f32 v9, v15;
	v9 =	vld [tilespmem:s26+$0x0];
	s26 =	sadd.s32 $0x140, s26  }
0x7e: {  	v4 =	vadd.f32 v4, v10;
	v7 =	vadd.f32 v7, v11  }
0x7f: {  	v1 =	vadd.f32 v1, v12;
	v3 =	vadd.f32 v3, v13  }
0x80: {  	v4 =	vadd.f32 v5, v4;
	v5 =	vadd.f32 v8, v7  }
0x81: {  	v0 =	vadd.f32 v0, v1;
	v1 =	vadd.f32 v2, v3  }
0x82: {  	v2 =	vadd.f32 v6, v4;
	v3 =	vadd.f32 v9, v5;
	_ =	sdelay $0x1  }
0x83: {  	v0 =	vadd.f32 v1, v0;
	v1 =	vadd.f32 v3, v2;
	_ =	sdelay $0x1  }
0x84: {  	v0 =	vadd.f32 v1, v0;
	_ =	sdelay $0x1  }
0x85: {  	s26 =	simm.s32 $0x2070;
	[tilespmem:s24+$0x6A50] =	vst v0  }
0x86: {  	v0 =	vld [tilespmem:s26+$0xFFFFFFD0]  }
0x87: {  	v2 =	vld [tilespmem:s26+$0xFFFFFFE0]  }
0x88: {  	v1 =	vld [tilespmem:s26+$0xFFFFFF90]  }
0x89: {  	v3 =	vld [tilespmem:s26+$0xFFFFFFA0]  }
0x8a: {  	v9 =	vld [tilespmem:s26+$0xFFFFFF50]  }
0x8b: {  	v13 =	vld [tilespmem:s26+$0xFFFFFF60]  }
0x8c: {  	v6 =	vld [tilespmem:s26+$0xFFFFFF10]  }
0x8d: {  	v8 =	vld [tilespmem:s26+$0xFFFFFF20]  }
0x8e: {  	v5 =	vld [tilespmem:s26+$0xFFFFFED0]  }
0x8f: {  	v7 =	vld [tilespmem:s26+$0xFFFFFEE0]  }
0x90: {  	v10 =	vld [tilespmem:s26+$0xFFFFFEF0]  }
0x91: {  	v11 =	vld [tilespmem:s26+$0xFFFFFF00]  }
0x92: {  	v12 =	vld [tilespmem:s26+$0xFFFFFF30]  }
0x93: {  	v14 =	vld [tilespmem:s26+$0xFFFFFF40]  }
0x94: {  	v15 =	vimm.f32 $0.0e+00;
	v4 =	vld [tilespmem:s26+$0xFFFFFF70]  }
0x95: {  	v16 =	vadd.f32 v5, v15;
	v17 =	vadd.f32 v7, v15;
	v7 =	vld [tilespmem:s26+$0xFFFFFF80]  }
0x96: {  	v10 =	vadd.f32 v10, v15;
	v11 =	vadd.f32 v11, v15;
	v5 =	vld [tilespmem:s26+$0xFFFFFFB0]  }
0x97: {  	v15 =	vadd.f32 v6, v16;
	v63 =	vadd.f32 v8, v17;
	v8 =	vld [tilespmem:s26+$0xFFFFFFC0]  }
0x98: {  	v10 =	vadd.f32 v12, v10;
	v11 =	vadd.f32 v14, v11;
	v6 =	vld [tilespmem:s26+$0xFFFFFFF0]  }
0x99: {  	s25 =	simm.s32 $0x0;
	v12 =	vadd.f32 v9, v15;
	v13 =	vadd.f32 v13, v63;
	v9 =	vld [tilespmem:s26+$0x0];
	s26 =	simm.s32 $0x21B0  }
.LBB2_7:
0x9a: {  	v14 =	vld [tilespmem:s26+$0xFFFFFFD0];
	v4 =	vadd.f32 v4, v10;
	v7 =	vadd.f32 v7, v11  }
0x9b: {  	v10 =	vld [tilespmem:s26+$0xFFFFFFE0];
	v11 =	vadd.f32 v1, v12;
	v12 =	vadd.f32 v3, v13  }
0x9c: {  	v1 =	vld [tilespmem:s26+$0xFFFFFF90];
	v4 =	vadd.f32 v5, v4;
	v5 =	vadd.f32 v8, v7  }
0x9d: {  	v3 =	vld [tilespmem:s26+$0xFFFFFFA0];
	v7 =	vadd.f32 v0, v11;
	v8 =	vadd.f32 v2, v12  }
0x9e: {  	v12 =	vld [tilespmem:s26+$0xFFFFFF50];
	v6 =	vadd.f32 v6, v4;
	v5 =	vadd.f32 v9, v5  }
0x9f: {  	v9 =	vld [tilespmem:s26+$0xFFFFFF60];
	v0 =	vmov v14  }
0xa0: {  	v11 =	vld [tilespmem:s26+$0xFFFFFF10];
	v2 =	vmov v10  }
0xa1: {  	v10 =	vld [tilespmem:s26+$0xFFFFFF20]  }
0xa2: {  	v13 =	vld [tilespmem:s26+$0xFFFFFED0]  }
0xa3: {  	v14 =	vld [tilespmem:s26+$0xFFFFFEE0]  }
0xa4: {  	v15 =	vld [tilespmem:s26+$0xFFFFFEF0]  }
0xa5: {  	s25 =	sadd.s32 $0x5, s25;
	v16 =	vld [tilespmem:s26+$0xFFFFFF00]  }
0xa6: {  	p0 =	slt.u32 s25, $0x2D;
	v17 =	vld [tilespmem:s26+$0xFFFFFF30]  }
0xa7: {  	v18 =	vld [tilespmem:s26+$0xFFFFFF40]  }
0xa8: {  	v4 =	vld [tilespmem:s26+$0xFFFFFF70]  }
.Ltmp2:
0xa9: {  	v13 =	vadd.f32 v13, v7;
	v8 =	vadd.f32 v14, v8;
	v7 =	vld [tilespmem:s26+$0xFFFFFF80];
	(pc) =	sbr.rel @p0 .LBB2_7-.Ltmp2, $4  }
0xaa: {  	v6 =	vadd.f32 v15, v6;
	v14 =	vadd.f32 v16, v5;
	v5 =	vld [tilespmem:s26+$0xFFFFFFB0]  }
0xab: {  	v13 =	vadd.f32 v11, v13;
	v15 =	vadd.f32 v10, v8;
	v8 =	vld [tilespmem:s26+$0xFFFFFFC0]  }
0xac: {  	v10 =	vadd.f32 v17, v6;
	v11 =	vadd.f32 v18, v14;
	v6 =	vld [tilespmem:s26+$0xFFFFFFF0]  }
0xad: {  	v12 =	vadd.f32 v12, v13;
	v13 =	vadd.f32 v9, v15;
	v9 =	vld [tilespmem:s26+$0x0];
	s26 =	sadd.s32 $0x140, s26  }
0xae: {  	v4 =	vadd.f32 v4, v10;
	v7 =	vadd.f32 v7, v11  }
0xaf: {  	v1 =	vadd.f32 v1, v12;
	v3 =	vadd.f32 v3, v13  }
0xb0: {  	v4 =	vadd.f32 v5, v4;
	v5 =	vadd.f32 v8, v7  }
0xb1: {  	v0 =	vadd.f32 v0, v1;
	v1 =	vadd.f32 v2, v3  }
0xb2: {  	v2 =	vadd.f32 v6, v4;
	v3 =	vadd.f32 v9, v5;
	_ =	sdelay $0x1  }
0xb3: {  	v0 =	vadd.f32 v1, v0;
	v1 =	vadd.f32 v3, v2;
	_ =	sdelay $0x1  }
0xb4: {  	v0 =	vadd.f32 v1, v0;
	_ =	sdelay $0x1  }
0xb5: {  	s26 =	simm.s32 $0x2CF0;
	[tilespmem:s24+$0x6A60] =	vst v0  }
0xb6: {  	v0 =	vld [tilespmem:s26+$0xFFFFFFD0]  }
0xb7: {  	v2 =	vld [tilespmem:s26+$0xFFFFFFE0]  }
0xb8: {  	v1 =	vld [tilespmem:s26+$0xFFFFFF90]  }
0xb9: {  	v3 =	vld [tilespmem:s26+$0xFFFFFFA0]  }
0xba: {  	v9 =	vld [tilespmem:s26+$0xFFFFFF50]  }
0xbb: {  	v13 =	vld [tilespmem:s26+$0xFFFFFF60]  }
0xbc: {  	v6 =	vld [tilespmem:s26+$0xFFFFFF10]  }
0xbd: {  	v8 =	vld [tilespmem:s26+$0xFFFFFF20]  }
0xbe: {  	v5 =	vld [tilespmem:s26+$0xFFFFFED0]  }
0xbf: {  	v7 =	vld [tilespmem:s26+$0xFFFFFEE0]  }
0xc0: {  	v10 =	vld [tilespmem:s26+$0xFFFFFEF0]  }
0xc1: {  	v11 =	vld [tilespmem:s26+$0xFFFFFF00]  }
0xc2: {  	v12 =	vld [tilespmem:s26+$0xFFFFFF30]  }
0xc3: {  	v14 =	vld [tilespmem:s26+$0xFFFFFF40]  }
0xc4: {  	v15 =	vimm.f32 $0.0e+00;
	v4 =	vld [tilespmem:s26+$0xFFFFFF70]  }
0xc5: {  	v16 =	vadd.f32 v5, v15;
	v17 =	vadd.f32 v7, v15;
	v7 =	vld [tilespmem:s26+$0xFFFFFF80]  }
0xc6: {  	v10 =	vadd.f32 v10, v15;
	v11 =	vadd.f32 v11, v15;
	v5 =	vld [tilespmem:s26+$0xFFFFFFB0]  }
0xc7: {  	v15 =	vadd.f32 v6, v16;
	v63 =	vadd.f32 v8, v17;
	v8 =	vld [tilespmem:s26+$0xFFFFFFC0]  }
0xc8: {  	v10 =	vadd.f32 v12, v10;
	v11 =	vadd.f32 v14, v11;
	v6 =	vld [tilespmem:s26+$0xFFFFFFF0]  }
0xc9: {  	s25 =	simm.s32 $0x0;
	v12 =	vadd.f32 v9, v15;
	v13 =	vadd.f32 v13, v63;
	v9 =	vld [tilespmem:s26+$0x0];
	s26 =	simm.s32 $0x2E30  }
.LBB2_9:
0xca: {  	v14 =	vld [tilespmem:s26+$0xFFFFFFD0];
	v4 =	vadd.f32 v4, v10;
	v7 =	vadd.f32 v7, v11  }
0xcb: {  	v10 =	vld [tilespmem:s26+$0xFFFFFFE0];
	v11 =	vadd.f32 v1, v12;
	v12 =	vadd.f32 v3, v13  }
0xcc: {  	v1 =	vld [tilespmem:s26+$0xFFFFFF90];
	v4 =	vadd.f32 v5, v4;
	v5 =	vadd.f32 v8, v7  }
0xcd: {  	v3 =	vld [tilespmem:s26+$0xFFFFFFA0];
	v7 =	vadd.f32 v0, v11;
	v8 =	vadd.f32 v2, v12  }
0xce: {  	v12 =	vld [tilespmem:s26+$0xFFFFFF50];
	v6 =	vadd.f32 v6, v4;
	v5 =	vadd.f32 v9, v5  }
0xcf: {  	v9 =	vld [tilespmem:s26+$0xFFFFFF60];
	v0 =	vmov v14  }
0xd0: {  	v11 =	vld [tilespmem:s26+$0xFFFFFF10];
	v2 =	vmov v10  }
0xd1: {  	v10 =	vld [tilespmem:s26+$0xFFFFFF20]  }
0xd2: {  	v13 =	vld [tilespmem:s26+$0xFFFFFED0]  }
0xd3: {  	v14 =	vld [tilespmem:s26+$0xFFFFFEE0]  }
0xd4: {  	v15 =	vld [tilespmem:s26+$0xFFFFFEF0]  }
0xd5: {  	s25 =	sadd.s32 $0x5, s25;
	v16 =	vld [tilespmem:s26+$0xFFFFFF00]  }
0xd6: {  	p0 =	slt.u32 s25, $0x2D;
	v17 =	vld [tilespmem:s26+$0xFFFFFF30]  }
0xd7: {  	v18 =	vld [tilespmem:s26+$0xFFFFFF40]  }
0xd8: {  	v4 =	vld [tilespmem:s26+$0xFFFFFF70]  }
.Ltmp3:
0xd9: {  	v13 =	vadd.f32 v13, v7;
	v8 =	vadd.f32 v14, v8;
	v7 =	vld [tilespmem:s26+$0xFFFFFF80];
	(pc) =	sbr.rel @p0 .LBB2_9-.Ltmp3, $4  }
0xda: {  	v6 =	vadd.f32 v15, v6;
	v14 =	vadd.f32 v16, v5;
	v5 =	vld [tilespmem:s26+$0xFFFFFFB0]  }
0xdb: {  	v13 =	vadd.f32 v11, v13;
	v15 =	vadd.f32 v10, v8;
	v8 =	vld [tilespmem:s26+$0xFFFFFFC0]  }
0xdc: {  	v10 =	vadd.f32 v17, v6;
	v11 =	vadd.f32 v18, v14;
	v6 =	vld [tilespmem:s26+$0xFFFFFFF0]  }
0xdd: {  	v12 =	vadd.f32 v12, v13;
	v13 =	vadd.f32 v9, v15;
	v9 =	vld [tilespmem:s26+$0x0];
	s26 =	sadd.s32 $0x140, s26  }
0xde: {  	v4 =	vadd.f32 v4, v10;
	v7 =	vadd.f32 v7, v11  }
0xdf: {  	v1 =	vadd.f32 v1, v12;
	v3 =	vadd.f32 v3, v13  }
0xe0: {  	v4 =	vadd.f32 v5, v4;
	v5 =	vadd.f32 v8, v7  }
0xe1: {  	v0 =	vadd.f32 v0, v1;
	v1 =	vadd.f32 v2, v3  }
0xe2: {  	v2 =	vadd.f32 v6, v4;
	v3 =	vadd.f32 v9, v5;
	_ =	sdelay $0x1  }
0xe3: {  	v0 =	vadd.f32 v1, v0;
	v1 =	vadd.f32 v3, v2;
	_ =	sdelay $0x1  }
0xe4: {  	v0 =	vadd.f32 v1, v0  }
0xe5: {  	p0 =	sne.s32 s23, $0xF  }
0xe6: {  	s25 =	simm.s32 @p0 $0x1;
	[tilespmem:s24+$0x6A70] =	vst v0  }
0xe7: {  	_ =	swait.ge @p0 [sflag:s25], $0x320  }
0xe8: {  	s26 =	simm.s32 @p0 $0x0;
	[sflag:s25] =	ssyncset.done @p0 $0x0  }
0xe9: {  	s28 =	simm.s32 @p0 $0x640;
	[sflag:s25] =	ssyncadd.s32 @p0 $0xFFFFFCE0;
	s25 =	simm.s32 @p0 $0x320  }
0xea: {  	[tilespmem:s28], [sflag:$0x3] =	stream.indirect.gather @p0 [spmem:s2], $0x10, s26, s25, $0xb8;
	[tilespmem:$0x1F940] =	vst v63  }
0xeb: {  	s28 =	smul.u32 @p0 $0x640, s23  }
0xec: {  	s29 =	simm.s32 @p0 $0x4  }
0xed: {  	_ =	swait.ge @p0 [sflag:s29], $0x3200;
	s28 =	sadd.s32 @p0 s28, s10  }
0xee: {  	[sflag:s29] =	ssyncset.done @p0 $0x0;
	s28 =	sshrl.u32 @p0 s28, $0x3  }
0xef: {  	[sflag:s29] =	ssyncadd.s32 @p0 $0xFFFFCE00;
	s28 =	sadd.s32 @p0 s4, s28  }
0xf0: {  	[tilespmem:s25], [sflag:$0x2] =	stream.linear.gather @p0 [hbm4b:s28+s26], $0x320, $0x38;
	[tilespmem:$0x1F940] =	vst v63  }
0xf1: {  	s25 =	simm.s32 @!p0 $0x4  }
0xf2: {  	_ =	swait.ge @!p0 [sflag:s25], $0x3200  }
0xf3: {  	[sflag:s25] =	ssyncset.done @!p0 $0x0  }
0xf4: {  	s31 =	simm.s32 $0x38E0;
	[sflag:s25] =	ssyncadd.s32 @!p0 $0xFFFFCE00  }
0xf5: {  	v0 =	vld [tilespmem:s31+$0x60]  }
0xf6: {  	v2 =	vld [tilespmem:s31+$0x70]  }
0xf7: {  	v1 =	vld [tilespmem:s31+$0x20]  }
0xf8: {  	v3 =	vld [tilespmem:s31+$0x30]  }
0xf9: {  	v9 =	vld [tilespmem:s31+$0xFFFFFFE0]  }
0xfa: {  	v13 =	vld [tilespmem:s31+$0xFFFFFFF0]  }
0xfb: {  	v6 =	vld [tilespmem:s31+$0xFFFFFFA0]  }
0xfc: {  	v8 =	vld [tilespmem:s31+$0xFFFFFFB0]  }
0xfd: {  	v5 =	vld [tilespmem:s31+$0xFFFFFF60]  }
0xfe: {  	v7 =	vld [tilespmem:s31+$0xFFFFFF70]  }
0xff: {  	v10 =	vld [tilespmem:s31+$0xFFFFFF80]  }
0x100: {  	v11 =	vld [tilespmem:s31+$0xFFFFFF90]  }
0x101: {  	v12 =	vld [tilespmem:s31+$0xFFFFFFC0]  }
0x102: {  	v14 =	vld [tilespmem:s31+$0xFFFFFFD0]  }
0x103: {  	v15 =	vimm.f32 $0.0e+00;
	v4 =	vld [tilespmem:s31+$0x0]  }
0x104: {  	v16 =	vadd.f32 v5, v15;
	v17 =	vadd.f32 v7, v15;
	v7 =	vld [tilespmem:s31+$0x10]  }
0x105: {  	v10 =	vadd.f32 v10, v15;
	v11 =	vadd.f32 v11, v15;
	v5 =	vld [tilespmem:s31+$0x40]  }
0x106: {  	v15 =	vadd.f32 v6, v16;
	v63 =	vadd.f32 v8, v17;
	v8 =	vld [tilespmem:s31+$0x50]  }
0x107: {  	v10 =	vadd.f32 v12, v10;
	v11 =	vadd.f32 v14, v11;
	v6 =	vld [tilespmem:s31+$0x80]  }
0x108: {  	s26 =	simm.s32 $0x3A20;
	s25 =	simm.s32 $0x0;
	v12 =	vadd.f32 v9, v15;
	v13 =	vadd.f32 v13, v63;
	v9 =	vld [tilespmem:s31+$0x90]  }
.LBB2_11:
0x109: {  	v14 =	vld [tilespmem:s26+$0x60];
	v4 =	vadd.f32 v4, v10;
	v7 =	vadd.f32 v7, v11  }
0x10a: {  	v10 =	vld [tilespmem:s26+$0x70];
	v11 =	vadd.f32 v1, v12;
	v12 =	vadd.f32 v3, v13  }
0x10b: {  	v1 =	vld [tilespmem:s26+$0x20];
	v4 =	vadd.f32 v5, v4;
	v5 =	vadd.f32 v8, v7  }
0x10c: {  	v3 =	vld [tilespmem:s26+$0x30];
	v7 =	vadd.f32 v0, v11;
	v8 =	vadd.f32 v2, v12  }
0x10d: {  	v12 =	vld [tilespmem:s26+$0xFFFFFFE0];
	v6 =	vadd.f32 v6, v4;
	v5 =	vadd.f32 v9, v5  }
0x10e: {  	v9 =	vld [tilespmem:s26+$0xFFFFFFF0];
	v0 =	vmov v14  }
0x10f: {  	v11 =	vld [tilespmem:s26+$0xFFFFFFA0];
	v2 =	vmov v10  }
0x110: {  	v10 =	vld [tilespmem:s26+$0xFFFFFFB0]  }
0x111: {  	v13 =	vld [tilespmem:s26+$0xFFFFFF60]  }
0x112: {  	v14 =	vld [tilespmem:s26+$0xFFFFFF70]  }
0x113: {  	v15 =	vld [tilespmem:s26+$0xFFFFFF80]  }
0x114: {  	s25 =	sadd.s32 $0x5, s25;
	v16 =	vld [tilespmem:s26+$0xFFFFFF90]  }
0x115: {  	p0 =	slt.u32 s25, $0x2D;
	v17 =	vld [tilespmem:s26+$0xFFFFFFC0]  }
0x116: {  	v18 =	vld [tilespmem:s26+$0xFFFFFFD0]  }
0x117: {  	v4 =	vld [tilespmem:s26+$0x0]  }
.Ltmp4:
0x118: {  	v13 =	vadd.f32 v13, v7;
	v8 =	vadd.f32 v14, v8;
	v7 =	vld [tilespmem:s26+$0x10];
	(pc) =	sbr.rel @p0 .LBB2_11-.Ltmp4, $4  }
0x119: {  	v6 =	vadd.f32 v15, v6;
	v14 =	vadd.f32 v16, v5;
	v5 =	vld [tilespmem:s26+$0x40]  }
0x11a: {  	v13 =	vadd.f32 v11, v13;
	v15 =	vadd.f32 v10, v8;
	v8 =	vld [tilespmem:s26+$0x50]  }
0x11b: {  	v10 =	vadd.f32 v17, v6;
	v11 =	vadd.f32 v18, v14;
	v6 =	vld [tilespmem:s26+$0x80]  }
0x11c: {  	v12 =	vadd.f32 v12, v13;
	v13 =	vadd.f32 v9, v15;
	v9 =	vld [tilespmem:s26+$0x90];
	s26 =	sadd.s32 $0x140, s26  }
0x11d: {  	v4 =	vadd.f32 v4, v10;
	v7 =	vadd.f32 v7, v11  }
0x11e: {  	v1 =	vadd.f32 v1, v12;
	v3 =	vadd.f32 v3, v13  }
0x11f: {  	v4 =	vadd.f32 v5, v4;
	v5 =	vadd.f32 v8, v7  }
0x120: {  	v0 =	vadd.f32 v0, v1;
	v1 =	vadd.f32 v2, v3  }
0x121: {  	v2 =	vadd.f32 v6, v4;
	v3 =	vadd.f32 v9, v5;
	_ =	sdelay $0x1  }
0x122: {  	v0 =	vadd.f32 v1, v0;
	v1 =	vadd.f32 v3, v2;
	_ =	sdelay $0x1  }
0x123: {  	v0 =	vadd.f32 v1, v0;
	_ =	sdelay $0x1  }
0x124: {  	s26 =	simm.s32 $0x45F0;
	[tilespmem:s24+$0x6A80] =	vst v0  }
0x125: {  	v0 =	vld [tilespmem:s26+$0xFFFFFFD0]  }
0x126: {  	v2 =	vld [tilespmem:s26+$0xFFFFFFE0]  }
0x127: {  	v1 =	vld [tilespmem:s26+$0xFFFFFF90]  }
0x128: {  	v3 =	vld [tilespmem:s26+$0xFFFFFFA0]  }
0x129: {  	v9 =	vld [tilespmem:s26+$0xFFFFFF50]  }
0x12a: {  	v13 =	vld [tilespmem:s26+$0xFFFFFF60]  }
0x12b: {  	v6 =	vld [tilespmem:s26+$0xFFFFFF10]  }
0x12c: {  	v8 =	vld [tilespmem:s26+$0xFFFFFF20]  }
0x12d: {  	v5 =	vld [tilespmem:s26+$0xFFFFFED0]  }
0x12e: {  	v7 =	vld [tilespmem:s26+$0xFFFFFEE0]  }
0x12f: {  	v10 =	vld [tilespmem:s26+$0xFFFFFEF0]  }
0x130: {  	v11 =	vld [tilespmem:s26+$0xFFFFFF00]  }
0x131: {  	v12 =	vld [tilespmem:s26+$0xFFFFFF30]  }
0x132: {  	v14 =	vld [tilespmem:s26+$0xFFFFFF40]  }
0x133: {  	v15 =	vimm.f32 $0.0e+00;
	v4 =	vld [tilespmem:s26+$0xFFFFFF70]  }
0x134: {  	v16 =	vadd.f32 v5, v15;
	v17 =	vadd.f32 v7, v15;
	v7 =	vld [tilespmem:s26+$0xFFFFFF80]  }
0x135: {  	v10 =	vadd.f32 v10, v15;
	v11 =	vadd.f32 v11, v15;
	v5 =	vld [tilespmem:s26+$0xFFFFFFB0]  }
0x136: {  	v15 =	vadd.f32 v6, v16;
	v63 =	vadd.f32 v8, v17;
	v8 =	vld [tilespmem:s26+$0xFFFFFFC0]  }
0x137: {  	v10 =	vadd.f32 v12, v10;
	v11 =	vadd.f32 v14, v11;
	v6 =	vld [tilespmem:s26+$0xFFFFFFF0]  }
0x138: {  	s25 =	simm.s32 $0x0;
	v12 =	vadd.f32 v9, v15;
	v13 =	vadd.f32 v13, v63;
	v9 =	vld [tilespmem:s26+$0x0];
	s26 =	simm.s32 $0x4730  }
.LBB2_13:
0x139: {  	v14 =	vld [tilespmem:s26+$0xFFFFFFD0];
	v4 =	vadd.f32 v4, v10;
	v7 =	vadd.f32 v7, v11  }
0x13a: {  	v10 =	vld [tilespmem:s26+$0xFFFFFFE0];
	v11 =	vadd.f32 v1, v12;
	v12 =	vadd.f32 v3, v13  }
0x13b: {  	v1 =	vld [tilespmem:s26+$0xFFFFFF90];
	v4 =	vadd.f32 v5, v4;
	v5 =	vadd.f32 v8, v7  }
0x13c: {  	v3 =	vld [tilespmem:s26+$0xFFFFFFA0];
	v7 =	vadd.f32 v0, v11;
	v8 =	vadd.f32 v2, v12  }
0x13d: {  	v12 =	vld [tilespmem:s26+$0xFFFFFF50];
	v6 =	vadd.f32 v6, v4;
	v5 =	vadd.f32 v9, v5  }
0x13e: {  	v9 =	vld [tilespmem:s26+$0xFFFFFF60];
	v0 =	vmov v14  }
0x13f: {  	v11 =	vld [tilespmem:s26+$0xFFFFFF10];
	v2 =	vmov v10  }
0x140: {  	v10 =	vld [tilespmem:s26+$0xFFFFFF20]  }
0x141: {  	v13 =	vld [tilespmem:s26+$0xFFFFFED0]  }
0x142: {  	v14 =	vld [tilespmem:s26+$0xFFFFFEE0]  }
0x143: {  	v15 =	vld [tilespmem:s26+$0xFFFFFEF0]  }
0x144: {  	s25 =	sadd.s32 $0x5, s25;
	v16 =	vld [tilespmem:s26+$0xFFFFFF00]  }
0x145: {  	p0 =	slt.u32 s25, $0x2D;
	v17 =	vld [tilespmem:s26+$0xFFFFFF30]  }
0x146: {  	v18 =	vld [tilespmem:s26+$0xFFFFFF40]  }
0x147: {  	v4 =	vld [tilespmem:s26+$0xFFFFFF70]  }
.Ltmp5:
0x148: {  	v13 =	vadd.f32 v13, v7;
	v8 =	vadd.f32 v14, v8;
	v7 =	vld [tilespmem:s26+$0xFFFFFF80];
	(pc) =	sbr.rel @p0 .LBB2_13-.Ltmp5, $4  }
0x149: {  	v6 =	vadd.f32 v15, v6;
	v14 =	vadd.f32 v16, v5;
	v5 =	vld [tilespmem:s26+$0xFFFFFFB0]  }
0x14a: {  	v13 =	vadd.f32 v11, v13;
	v15 =	vadd.f32 v10, v8;
	v8 =	vld [tilespmem:s26+$0xFFFFFFC0]  }
0x14b: {  	v10 =	vadd.f32 v17, v6;
	v11 =	vadd.f32 v18, v14;
	v6 =	vld [tilespmem:s26+$0xFFFFFFF0]  }
0x14c: {  	v12 =	vadd.f32 v12, v13;
	v13 =	vadd.f32 v9, v15;
	v9 =	vld [tilespmem:s26+$0x0];
	s26 =	sadd.s32 $0x140, s26  }
0x14d: {  	v4 =	vadd.f32 v4, v10;
	v7 =	vadd.f32 v7, v11  }
0x14e: {  	v1 =	vadd.f32 v1, v12;
	v3 =	vadd.f32 v3, v13  }
0x14f: {  	v4 =	vadd.f32 v5, v4;
	v5 =	vadd.f32 v8, v7  }
0x150: {  	v0 =	vadd.f32 v0, v1;
	v1 =	vadd.f32 v2, v3  }
0x151: {  	v2 =	vadd.f32 v6, v4;
	v3 =	vadd.f32 v9, v5;
	_ =	sdelay $0x1  }
0x152: {  	v0 =	vadd.f32 v1, v0;
	v1 =	vadd.f32 v3, v2;
	_ =	sdelay $0x1  }
0x153: {  	v0 =	vadd.f32 v1, v0;
	_ =	sdelay $0x1  }
0x154: {  	s26 =	simm.s32 $0x5270;
	[tilespmem:s24+$0x6A90] =	vst v0  }
0x155: {  	v0 =	vld [tilespmem:s26+$0xFFFFFFD0]  }
0x156: {  	v2 =	vld [tilespmem:s26+$0xFFFFFFE0]  }
0x157: {  	v1 =	vld [tilespmem:s26+$0xFFFFFF90]  }
0x158: {  	v3 =	vld [tilespmem:s26+$0xFFFFFFA0]  }
0x159: {  	v9 =	vld [tilespmem:s26+$0xFFFFFF50]  }
0x15a: {  	v13 =	vld [tilespmem:s26+$0xFFFFFF60]  }
0x15b: {  	v6 =	vld [tilespmem:s26+$0xFFFFFF10]  }
0x15c: {  	v8 =	vld [tilespmem:s26+$0xFFFFFF20]  }
0x15d: {  	v5 =	vld [tilespmem:s26+$0xFFFFFED0]  }
0x15e: {  	v7 =	vld [tilespmem:s26+$0xFFFFFEE0]  }
0x15f: {  	v10 =	vld [tilespmem:s26+$0xFFFFFEF0]  }
0x160: {  	v11 =	vld [tilespmem:s26+$0xFFFFFF00]  }
0x161: {  	v12 =	vld [tilespmem:s26+$0xFFFFFF30]  }
0x162: {  	v14 =	vld [tilespmem:s26+$0xFFFFFF40]  }
0x163: {  	v15 =	vimm.f32 $0.0e+00;
	v4 =	vld [tilespmem:s26+$0xFFFFFF70]  }
0x164: {  	v16 =	vadd.f32 v5, v15;
	v17 =	vadd.f32 v7, v15;
	v7 =	vld [tilespmem:s26+$0xFFFFFF80]  }
0x165: {  	v10 =	vadd.f32 v10, v15;
	v11 =	vadd.f32 v11, v15;
	v5 =	vld [tilespmem:s26+$0xFFFFFFB0]  }
0x166: {  	v15 =	vadd.f32 v6, v16;
	v63 =	vadd.f32 v8, v17;
	v8 =	vld [tilespmem:s26+$0xFFFFFFC0]  }
0x167: {  	v10 =	vadd.f32 v12, v10;
	v11 =	vadd.f32 v14, v11;
	v6 =	vld [tilespmem:s26+$0xFFFFFFF0]  }
0x168: {  	s25 =	simm.s32 $0x0;
	v12 =	vadd.f32 v9, v15;
	v13 =	vadd.f32 v13, v63;
	v9 =	vld [tilespmem:s26+$0x0];
	s26 =	simm.s32 $0x53B0  }
.LBB2_15:
0x169: {  	v14 =	vld [tilespmem:s26+$0xFFFFFFD0];
	v4 =	vadd.f32 v4, v10;
	v7 =	vadd.f32 v7, v11  }
0x16a: {  	v10 =	vld [tilespmem:s26+$0xFFFFFFE0];
	v11 =	vadd.f32 v1, v12;
	v12 =	vadd.f32 v3, v13  }
0x16b: {  	v1 =	vld [tilespmem:s26+$0xFFFFFF90];
	v4 =	vadd.f32 v5, v4;
	v5 =	vadd.f32 v8, v7  }
0x16c: {  	v3 =	vld [tilespmem:s26+$0xFFFFFFA0];
	v7 =	vadd.f32 v0, v11;
	v8 =	vadd.f32 v2, v12  }
0x16d: {  	v12 =	vld [tilespmem:s26+$0xFFFFFF50];
	v6 =	vadd.f32 v6, v4;
	v5 =	vadd.f32 v9, v5  }
0x16e: {  	v9 =	vld [tilespmem:s26+$0xFFFFFF60];
	v0 =	vmov v14  }
0x16f: {  	v11 =	vld [tilespmem:s26+$0xFFFFFF10];
	v2 =	vmov v10  }
0x170: {  	v10 =	vld [tilespmem:s26+$0xFFFFFF20]  }
0x171: {  	v13 =	vld [tilespmem:s26+$0xFFFFFED0]  }
0x172: {  	v14 =	vld [tilespmem:s26+$0xFFFFFEE0]  }
0x173: {  	v15 =	vld [tilespmem:s26+$0xFFFFFEF0]  }
0x174: {  	s25 =	sadd.s32 $0x5, s25;
	v16 =	vld [tilespmem:s26+$0xFFFFFF00]  }
0x175: {  	p0 =	slt.u32 s25, $0x2D;
	v17 =	vld [tilespmem:s26+$0xFFFFFF30]  }
0x176: {  	v18 =	vld [tilespmem:s26+$0xFFFFFF40]  }
0x177: {  	v4 =	vld [tilespmem:s26+$0xFFFFFF70]  }
.Ltmp6:
0x178: {  	v13 =	vadd.f32 v13, v7;
	v8 =	vadd.f32 v14, v8;
	v7 =	vld [tilespmem:s26+$0xFFFFFF80];
	(pc) =	sbr.rel @p0 .LBB2_15-.Ltmp6, $4  }
0x179: {  	v6 =	vadd.f32 v15, v6;
	v14 =	vadd.f32 v16, v5;
	v5 =	vld [tilespmem:s26+$0xFFFFFFB0]  }
0x17a: {  	v13 =	vadd.f32 v11, v13;
	v15 =	vadd.f32 v10, v8;
	v8 =	vld [tilespmem:s26+$0xFFFFFFC0]  }
0x17b: {  	v10 =	vadd.f32 v17, v6;
	v11 =	vadd.f32 v18, v14;
	v6 =	vld [tilespmem:s26+$0xFFFFFFF0]  }
0x17c: {  	v12 =	vadd.f32 v12, v13;
	v13 =	vadd.f32 v9, v15;
	v9 =	vld [tilespmem:s26+$0x0];
	s26 =	sadd.s32 $0x140, s26  }
0x17d: {  	v4 =	vadd.f32 v4, v10;
	v7 =	vadd.f32 v7, v11  }
0x17e: {  	v1 =	vadd.f32 v1, v12;
	v3 =	vadd.f32 v3, v13  }
0x17f: {  	v4 =	vadd.f32 v5, v4;
	v5 =	vadd.f32 v8, v7  }
0x180: {  	v0 =	vadd.f32 v0, v1;
	v1 =	vadd.f32 v2, v3  }
0x181: {  	v2 =	vadd.f32 v6, v4;
	v3 =	vadd.f32 v9, v5;
	_ =	sdelay $0x1  }
0x182: {  	v0 =	vadd.f32 v1, v0;
	v1 =	vadd.f32 v3, v2;
	_ =	sdelay $0x1  }
0x183: {  	v0 =	vadd.f32 v1, v0;
	_ =	sdelay $0x1  }
0x184: {  	s26 =	simm.s32 $0x5EF0;
	[tilespmem:s24+$0x6AA0] =	vst v0  }
0x185: {  	v0 =	vld [tilespmem:s26+$0xFFFFFFD0]  }
0x186: {  	v2 =	vld [tilespmem:s26+$0xFFFFFFE0]  }
0x187: {  	v1 =	vld [tilespmem:s26+$0xFFFFFF90]  }
0x188: {  	v3 =	vld [tilespmem:s26+$0xFFFFFFA0]  }
0x189: {  	v9 =	vld [tilespmem:s26+$0xFFFFFF50]  }
0x18a: {  	v13 =	vld [tilespmem:s26+$0xFFFFFF60]  }
0x18b: {  	v6 =	vld [tilespmem:s26+$0xFFFFFF10]  }
0x18c: {  	v8 =	vld [tilespmem:s26+$0xFFFFFF20]  }
0x18d: {  	v5 =	vld [tilespmem:s26+$0xFFFFFED0]  }
0x18e: {  	v7 =	vld [tilespmem:s26+$0xFFFFFEE0]  }
0x18f: {  	v10 =	vld [tilespmem:s26+$0xFFFFFEF0]  }
0x190: {  	v11 =	vld [tilespmem:s26+$0xFFFFFF00]  }
0x191: {  	v12 =	vld [tilespmem:s26+$0xFFFFFF30]  }
0x192: {  	v14 =	vld [tilespmem:s26+$0xFFFFFF40]  }
0x193: {  	v15 =	vimm.f32 $0.0e+00;
	v4 =	vld [tilespmem:s26+$0xFFFFFF70]  }
0x194: {  	v16 =	vadd.f32 v5, v15;
	v17 =	vadd.f32 v7, v15;
	v7 =	vld [tilespmem:s26+$0xFFFFFF80]  }
0x195: {  	v10 =	vadd.f32 v10, v15;
	v11 =	vadd.f32 v11, v15;
	v5 =	vld [tilespmem:s26+$0xFFFFFFB0]  }
0x196: {  	v15 =	vadd.f32 v6, v16;
	v63 =	vadd.f32 v8, v17;
	v8 =	vld [tilespmem:s26+$0xFFFFFFC0]  }
0x197: {  	v10 =	vadd.f32 v12, v10;
	v11 =	vadd.f32 v14, v11;
	v6 =	vld [tilespmem:s26+$0xFFFFFFF0]  }
0x198: {  	s25 =	simm.s32 $0x0;
	v12 =	vadd.f32 v9, v15;
	v13 =	vadd.f32 v13, v63;
	v9 =	vld [tilespmem:s26+$0x0];
	s26 =	simm.s32 $0x6030  }
.LBB2_17:
0x199: {  	v14 =	vld [tilespmem:s26+$0xFFFFFFD0];
	v4 =	vadd.f32 v4, v10;
	v7 =	vadd.f32 v7, v11  }
0x19a: {  	v10 =	vld [tilespmem:s26+$0xFFFFFFE0];
	v11 =	vadd.f32 v1, v12;
	v12 =	vadd.f32 v3, v13  }
0x19b: {  	v1 =	vld [tilespmem:s26+$0xFFFFFF90];
	v4 =	vadd.f32 v5, v4;
	v5 =	vadd.f32 v8, v7  }
0x19c: {  	v3 =	vld [tilespmem:s26+$0xFFFFFFA0];
	v7 =	vadd.f32 v0, v11;
	v8 =	vadd.f32 v2, v12  }
0x19d: {  	v12 =	vld [tilespmem:s26+$0xFFFFFF50];
	v6 =	vadd.f32 v6, v4;
	v5 =	vadd.f32 v9, v5  }
0x19e: {  	v9 =	vld [tilespmem:s26+$0xFFFFFF60];
	v0 =	vmov v14  }
0x19f: {  	v11 =	vld [tilespmem:s26+$0xFFFFFF10];
	v2 =	vmov v10  }
0x1a0: {  	v10 =	vld [tilespmem:s26+$0xFFFFFF20]  }
0x1a1: {  	v13 =	vld [tilespmem:s26+$0xFFFFFED0]  }
0x1a2: {  	v14 =	vld [tilespmem:s26+$0xFFFFFEE0]  }
0x1a3: {  	v15 =	vld [tilespmem:s26+$0xFFFFFEF0]  }
0x1a4: {  	s25 =	sadd.s32 $0x5, s25;
	v16 =	vld [tilespmem:s26+$0xFFFFFF00]  }
0x1a5: {  	p0 =	slt.u32 s25, $0x2D;
	v17 =	vld [tilespmem:s26+$0xFFFFFF30]  }
0x1a6: {  	v18 =	vld [tilespmem:s26+$0xFFFFFF40]  }
0x1a7: {  	v4 =	vld [tilespmem:s26+$0xFFFFFF70]  }
.Ltmp7:
0x1a8: {  	v13 =	vadd.f32 v13, v7;
	v8 =	vadd.f32 v14, v8;
	v7 =	vld [tilespmem:s26+$0xFFFFFF80];
	(pc) =	sbr.rel @p0 .LBB2_17-.Ltmp7, $4  }
0x1a9: {  	v6 =	vadd.f32 v15, v6;
	v14 =	vadd.f32 v16, v5;
	v5 =	vld [tilespmem:s26+$0xFFFFFFB0]  }
0x1aa: {  	v13 =	vadd.f32 v11, v13;
	v15 =	vadd.f32 v10, v8;
	v8 =	vld [tilespmem:s26+$0xFFFFFFC0]  }
0x1ab: {  	v10 =	vadd.f32 v17, v6;
	v11 =	vadd.f32 v18, v14;
	v6 =	vld [tilespmem:s26+$0xFFFFFFF0]  }
0x1ac: {  	v12 =	vadd.f32 v12, v13;
	v13 =	vadd.f32 v9, v15;
	v9 =	vld [tilespmem:s26+$0x0];
	s26 =	sadd.s32 $0x140, s26  }
0x1ad: {  	v4 =	vadd.f32 v4, v10;
	v7 =	vadd.f32 v7, v11  }
0x1ae: {  	v1 =	vadd.f32 v1, v12;
	v3 =	vadd.f32 v3, v13  }
0x1af: {  	v4 =	vadd.f32 v5, v4;
	v59 =	vadd.f32 v8, v7  }
0x1b0: {  	v0 =	vadd.f32 v0, v1;
	v60 =	vadd.f32 v2, v3  }
0x1b1: {  	s23 =	sadd.s32 $0x1, s23;
	v61 =	vadd.f32 v6, v4;
	v62 =	vadd.f32 v9, v59  }
0x1b2: {  	p0 =	sne.s32 s23, $0x10  }
.Ltmp8:
0x1b3: {  	v0 =	vadd.f32 v60, v0;
	v63 =	vadd.f32 v62, v61;
	(pc) =	sbr.rel @p0 .LBB2_2-.Ltmp8, $3  }
0x1b4: {  	_ = 	snop  }
0x1b5: {  	v0 =	vadd.f32 v63, v0;
	_ =	sdelay $0x1  }
0x1b6: {  	[tilespmem:s24+$0x6AB0] =	vst v0  }
0x1b7: {  	s22 =	sadd.s32 $0x1, s22  }
0x1b8: {  	p0 =	sne.s32 s22, s12  }
.Ltmp9:
0x1b9: {  	_ = 	snop;
	(pc) =	sbr.rel @p0 .LBB2_1-.Ltmp9, $4  }
0x1ba: {  	[hbm4b:s11+s3] =	stream.linear.scatter [tilespmem:s21], [sflag:$0x5], $0x800, $0x38;
	[tilespmem:$0x1F940] =	vst v63  }
0x1bb: {  	_ =	swait.ge [sflag:s14], $0x800  }
0x1bc: {  	[sflag:s14] =	ssyncset.done $0x0  }
0x1bd: {  	[sflag:s14] =	ssyncadd.s32 $0xFFFFF800  }
0x1be: {  	_ =	sfence.sel $0x180000  }
0x1bf: {  	[bflag:$0x0] =	sbarrier.arrive $0xFFFF  }
0x1c0: {  	p0 =	sne.s32 s1, $0x0;
	_ =	strace $0x90000047  }
0x1c1: {  	s0 =	sadd.s32 @!p0 $0x100000, s0;
	[bflag:$0x2] =	sbarrier.arrive $0xFFFF  }
0x1c2: {  	[sflag:s0] =	ssyncadd.tile.s32 @!p0 $0x1;
	_ =	shalt  }
.Lfunc_end2:
_tile_overlayer_lowered:
.L_overlay_start_2:
0x1c3: {  	(tag) =	ssettag $0x2  }
0x1c4: {  	s0 =	rddreg [dreg:$0x0];
	s2 =	stileid.u32  }
0x1c5: {  	s1 =	rddreg [dreg:$0x1];
	p0 =	sne.s32 s2, $0x0  }
0x1c6: {  	s3 =	rddreg [dreg:$0x2];
	[bflag:$0x3] =	sbarrier.arrive $0xFFFF;
	s2 =	simm.s32 @!p0 $0x1C05  }
0x1c7: {  	[timem:s3], [sflag:s2] =	dma.local @!p0 [hbm:s0], s1  }
0x1c8: {  	s0 =	simm.s32 @!p0 $0x5  }
0x1c9: {  	_ =	swait.ge @!p0 [sflag:s0], s1  }
0x1ca: {  	s1 =	ssub.s32 @!p0 $0x0, s1;
	[sflag:s0] =	ssyncset.done @!p0 $0x0  }
0x1cb: {  	[sflag:s0] =	ssyncadd.s32 @!p0 s1  }
0x1cc: {  	[bflag:$0x3] =	sbarrier.arrive $0xFFFF  }
0x1cd: {  	_ =	shalt  }

</sc_bundles>
